<compile_context>
chip_gen: v7x
topology: tpu7x:2x2x1
jax: 0.10.2.dev20260603
libtpu: 0.0.44.dev20260713+nightly
codegen_flags: <defaults>
</compile_context>

<pallas_src>
import functools

import jax
import jax.numpy as jnp
from jax import lax
from jax.experimental import pallas as pl
from jax.experimental.pallas import tpu as pltpu
from jax.experimental.pallas import tpu_sc as plsc

B, S = 2, 2048
NT = B * S
H = 2880
E = 32
TOPK = 4
NW = 32
TPW = NT // NW
TBLK = 512
CPB = TBLK // TPW
NBLK = NT // TPW
LANES = 16
NGRP = TPW // LANES


SBLK = S // TBLK


def _tc_body(mask_ref, hs_ref, w_ref, b_ref, hout_ref, st_ref):
    m = mask_ref[...][0]
    h = hs_ref[...][0]
    m3 = m * m * m
    hm3 = h * m3
    hout_ref[...] = (hm3 * m)[None]
    st = lax.dot_general(w_ref[...], hm3, (((1,), (0,)), ((), ())),
                         preferred_element_type=jnp.float32)
    st = st + b_ref[...]
    for c in range(CPB):
        st_ref[c] = st[:, c * TPW:(c + 1) * TPW]


_tc_call = pl.pallas_call(
    _tc_body,
    grid=(B, SBLK),
    in_specs=[
        pl.BlockSpec((1, 1, TBLK), lambda b, j: (b, 0, j)),
        pl.BlockSpec((1, H, TBLK), lambda b, j: (b, 0, j)),
        pl.BlockSpec((E, H), lambda b, j: (0, 0)),
        pl.BlockSpec((E, 1), lambda b, j: (0, 0)),
    ],
    out_specs=[
        pl.BlockSpec((1, H, TBLK), lambda b, j: (b, 0, j)),
        pl.BlockSpec((CPB, E, TPW), lambda b, j: (b * SBLK + j, 0, 0)),
    ],
    out_shape=[
        jax.ShapeDtypeStruct((B, H, S), jnp.float32),
        jax.ShapeDtypeStruct((NBLK, E, TPW), jnp.float32),
    ],
    compiler_params=pltpu.CompilerParams(
        dimension_semantics=("arbitrary", "arbitrary"),
    ),
)


OUTK = TOPK * TPW


@functools.cache
def _make_sc_topk():
    return pl.kernel(
        _sc_topk_body,
        mesh=plsc.VectorSubcoreMesh(core_axis_name="c", subcore_axis_name="s"),
        out_type=[
            jax.ShapeDtypeStruct((NT * TOPK,), jnp.int32),
            jax.ShapeDtypeStruct((NT * TOPK,), jnp.float32),
        ],
        scratch_types=[
            pltpu.VMEM((E, TPW), jnp.float32),
            pltpu.VMEM((OUTK,), jnp.int32),
            pltpu.VMEM((OUTK,), jnp.float32),
        ],
    )


def _sc_topk_body(scores_hbm, iout_hbm, wout_hbm, s_v, i_v, w_v):
    wid = lax.axis_index("s") * 2 + lax.axis_index("c")
    pltpu.sync_copy(scores_hbm.at[wid], s_v)
    lanes = lax.iota(jnp.int32, LANES)

    def group(g, carry):
        offs = pl.multiple_of(g * LANES, LANES)
        neg = jnp.full((LANES,), -jnp.inf, jnp.float32)
        zero = jnp.zeros((LANES,), jnp.int32)
        b0, b1, b2, b3 = neg, neg, neg, neg
        i0, i1, i2, i3 = zero, zero, zero, zero
        for e in range(E):
            v = s_v[e, pl.ds(offs, LANES)]
            ev = jnp.full((LANES,), e, jnp.int32)
            c0 = v > b0
            c1 = v > b1
            c2 = v > b2
            c3 = v > b3
            b0, b1, b2, b3 = (
                jnp.where(c0, v, b0),
                jnp.where(c0, b0, jnp.where(c1, v, b1)),
                jnp.where(c1, b1, jnp.where(c2, v, b2)),
                jnp.where(c2, b2, jnp.where(c3, v, b3)),
            )
            i0, i1, i2, i3 = (
                jnp.where(c0, ev, i0),
                jnp.where(c0, i0, jnp.where(c1, ev, i1)),
                jnp.where(c1, i1, jnp.where(c2, ev, i2)),
                jnp.where(c2, i2, jnp.where(c3, ev, i3)),
            )
        e0 = jnp.exp(b0 - b0)
        e1 = jnp.exp(b1 - b0)
        e2 = jnp.exp(b2 - b0)
        e3 = jnp.exp(b3 - b0)
        s = e0 + e1 + e2 + e3
        for k, (iv, wv) in enumerate(((i0, e0 / s), (i1, e1 / s),
                                      (i2, e2 / s), (i3, e3 / s))):
            flat = (offs + lanes) * TOPK + k
            i_v[pl.ds(offs * TOPK + k * LANES, LANES)] = iv
            w_v[pl.ds(offs * TOPK + k * LANES, LANES)] = wv
        return carry

    lax.fori_loop(0, NGRP, group, 0)
    pltpu.sync_copy(i_v, iout_hbm.at[pl.ds(wid * OUTK, OUTK)])
    pltpu.sync_copy(w_v, wout_hbm.at[pl.ds(wid * OUTK, OUTK)])


def kernel(input_ids, attention_mask, hidden_states, router_w, router_b):
    hs_t = jnp.transpose(hidden_states, (0, 2, 1))
    m2d = attention_mask.astype(jnp.float32).reshape(B, 1, S)
    w_last = router_w[-1]
    b_last = router_b[-1].reshape(E, 1)
    hout, st = _tc_call(m2d, hs_t, w_last, b_last)
    idx, wts = _make_sc_topk()(st)
    h = jnp.transpose(hout, (0, 2, 1))
    ei = idx.reshape(NT // LANES, TOPK, LANES).transpose(0, 2, 1).reshape(B, S, TOPK)
    ew = wts.reshape(NT // LANES, TOPK, LANES).transpose(0, 2, 1).reshape(B, S, TOPK)
    return h, ei, ew

# --- scband reference (transcript-rebuilt; emitter-appended) ---
"""Pipeline reference for scband-gptossnative-mo-e-6150393168448 (READ-ONLY COPY).

The authoritative reference and input builder live on the scoring server;
editing this copy changes nothing except your own understanding.
"""

import jax, jax.numpy as jnp
import numpy as np

B, S = 2, 2048
HIDDEN = 2880
NUM_EXPERTS = 32
TOP_K = 4
VOCAB = 201088
NUM_LAYERS_RUN = 3  # forward only iterates min(3, num_layers) MoE layers


def setup_inputs(seed: int = 0) -> dict:
    key = jax.random.key(seed)
    k0, k1, k2, k3 = jax.random.split(key, 4)
    input_ids = jax.random.randint(k0, (B, S), 0, VOCAB, dtype=jnp.int32)
    attention_mask = jnp.ones((B, S), dtype=jnp.float32)
    # The torch forward draws random hidden_states internally; we materialize
    # them deterministically here so the reference is reproducible.
    hidden_states = jax.random.normal(k1, (B, S, HIDDEN), dtype=jnp.float32)
    # One router (weight [E, H], bias [E]) per executed layer, stacked.
    router_w = jax.random.normal(k2, (NUM_LAYERS_RUN, NUM_EXPERTS, HIDDEN), dtype=jnp.float32) * 0.02
    router_b = jax.random.normal(k3, (NUM_LAYERS_RUN, NUM_EXPERTS), dtype=jnp.float32) * 0.02
    return {
        "input_ids": input_ids,
        "attention_mask": attention_mask,
        "hidden_states": hidden_states,
        "router_w": router_w,
        "router_b": router_b,
    }


def reference(input_ids, attention_mask, hidden_states, router_w, router_b):
    # forward(): mask_expanded multiply on the synthetic hidden states
    mask = attention_mask[..., None]
    h = hidden_states * mask
    expert_indices = None
    expert_weights = None
    for layer_idx in range(NUM_LAYERS_RUN):
        # route_tokens: scores = h @ W.T + b ; topk ; softmax over topk
        scores = jnp.einsum("bsh,eh->bse", h, router_w[layer_idx]) + router_b[layer_idx]
        expert_weights, expert_indices = jax.lax.top_k(scores, TOP_K)
        expert_weights = jax.nn.softmax(expert_weights, axis=-1)
        # moe_forward: re-apply the attention mask, pass hidden through
        h = h * mask
    return h, expert_indices, expert_weights

if __name__ == "__main__":
    import jax
    _d = setup_inputs()
    print(jax.jit(kernel)(*tuple(_d.values())))

</pallas_src>

<mosaic_0001>
#map = affine_map<(d0, d1) -> (0, 0, 0)>
#map1 = affine_map<(d0, d1) -> (0)>
module attributes {stable_mosaic.version = 14 : i64} {
  func.func @_sc_topk_body(%arg0: i32, %arg1: i32, %arg2: memref<32x32x128xf32, #tpu.memory_space<hbm>>, %arg3: memref<16384xi32, #tpu.memory_space<hbm>>, %arg4: memref<16384xf32, #tpu.memory_space<hbm>>, %arg5: memref<32x128xf32, #tpu.memory_space<vmem>>, %arg6: memref<512xi32, #tpu.memory_space<vmem>>, %arg7: memref<512xf32, #tpu.memory_space<vmem>>) attributes {dimension_semantics = [#tpu.dimension_semantics<core_parallel>, #tpu.dimension_semantics<subcore_parallel>], iteration_bounds = array<i64: 2, 16>, scalar_prefetch = 0 : i64, scratch_operands = 3 : i64, tpu.core_type = #tpu.core_type<sc_vector_subcore>, window_params = [{transform_indices = #map}, {transform_indices = #map1}, {transform_indices = #map1}]} {
    %mul3A = arith.constant 2 : i32
    %mul3A_0 = arith.muli %arg1, %mul3A : i32
    %add3A = arith.addi %mul3A_0, %arg0 : i32
    "tpu.region"() ({
      %run_scoped3A = tpu.sem_alloc : memref<!tpu.dma_semaphore, #tpu.memory_space<semaphore_mem>>
      %dma_start3A = arith.constant 0 : i32
      %dma_start3A_10 = arith.constant 0 : i32
      %dma_start3A_11 = tpu.memref_slice %arg2[%add3A, %dma_start3A, %dma_start3A_10] : memref<32x32x128xf32, #tpu.memory_space<hbm>> -> memref<1x32x128xf32, #tpu.memory_space<hbm>>
      %dma_start3A_12 = tpu.memref_squeeze %dma_start3A_11 : memref<1x32x128xf32, #tpu.memory_space<hbm>> -> memref<32x128xf32, #tpu.memory_space<hbm>>
      %dma_start3A_13 = arith.constant 0 : i32
      %dma_start3A_14 = arith.constant 0 : i32
      %dma_start3A_15 = tpu.memref_slice %arg2[%add3A, %dma_start3A_13, %dma_start3A_14] : memref<32x32x128xf32, #tpu.memory_space<hbm>> -> memref<1x32x128xf32, #tpu.memory_space<hbm>>
      %dma_start3A_16 = tpu.memref_squeeze %dma_start3A_15 : memref<1x32x128xf32, #tpu.memory_space<hbm>> -> memref<32x128xf32, #tpu.memory_space<hbm>>
      tpu.enqueue_dma source(%dma_start3A_16 : memref<32x128xf32, #tpu.memory_space<hbm>>) target(%arg5 : memref<32x128xf32, #tpu.memory_space<vmem>>) target_semaphore(%run_scoped3A : memref<!tpu.dma_semaphore, #tpu.memory_space<semaphore_mem>>)
      %dma_wait3A = arith.constant 0 : i32
      %dma_wait3A_17 = arith.constant 0 : i32
      %dma_wait3A_18 = tpu.memref_slice %arg2[%add3A, %dma_wait3A, %dma_wait3A_17] : memref<32x32x128xf32, #tpu.memory_space<hbm>> -> memref<1x32x128xf32, #tpu.memory_space<hbm>>
      %dma_wait3A_19 = tpu.memref_squeeze %dma_wait3A_18 : memref<1x32x128xf32, #tpu.memory_space<hbm>> -> memref<32x128xf32, #tpu.memory_space<hbm>>
      %dma_wait3A_20 = arith.constant 0 : i32
      %dma_wait3A_21 = arith.constant 0 : i32
      %dma_wait3A_22 = tpu.memref_slice %arg2[%add3A, %dma_wait3A_20, %dma_wait3A_21] : memref<32x32x128xf32, #tpu.memory_space<hbm>> -> memref<1x32x128xf32, #tpu.memory_space<hbm>>
      %dma_wait3A_23 = tpu.memref_squeeze %dma_wait3A_22 : memref<1x32x128xf32, #tpu.memory_space<hbm>> -> memref<32x128xf32, #tpu.memory_space<hbm>>
      tpu.wait_dma2 semaphore(%run_scoped3A : memref<!tpu.dma_semaphore, #tpu.memory_space<semaphore_mem>>) src(%dma_wait3A_23 : memref<32x128xf32, #tpu.memory_space<hbm>>) dst(%arg5 : memref<32x128xf32, #tpu.memory_space<vmem>>)
      tpu.yield
    }) : () -> ()
    %iota3A = tpu.iota {dimensions = array<i32: 0>} : vector<16xi32>
    %scan3A = arith.constant 0 : i32
    %scan3A_1 = arith.constant 0 : i32
    %scan3A_2 = arith.constant 8 : i32
    %scan3A_3 = arith.addi %scan3A_1, %scan3A_2 : i32
    %scan3A_4 = arith.constant 1 : i32
    scf.for %scan3A_10 = %scan3A_1 to %scan3A_3 step %scan3A_4  : i32 {
      %mul3A_11 = arith.constant 16 : i32
      %mul3A_12 = arith.muli %scan3A_10, %mul3A_11 : i32
      %multiple_of3A = tpu.assume_multiple %mul3A_12, 16 : i32
      %broadcast_in_dim3A = arith.constant 0xFF800000 : f32
      %broadcast_in_dim3A_13 = vector.broadcast %broadcast_in_dim3A : f32 to vector<16xf32>
      %broadcast_in_dim3A_14 = arith.constant 0 : i32
      %broadcast_in_dim3A_15 = vector.broadcast %broadcast_in_dim3A_14 : i32 to vector<16xi32>
      %get3A = arith.constant 0 : i32
      %get3A_16 = arith.index_cast %get3A : i32 to index
      %get3A_17 = arith.index_cast %multiple_of3A : i32 to index
      %get3A_18 = tpu.vector_load %arg5[%get3A_16, %get3A_17] {strides = array<i32>} : memref<32x128xf32, #tpu.memory_space<vmem>>, vector<1x16xf32>,
      %get3A_19 = vector.shape_cast %get3A_18 : vector<1x16xf32> to vector<16xf32>
      %broadcast_in_dim3A_20 = arith.constant 0 : i32
      %broadcast_in_dim3A_21 = vector.broadcast %broadcast_in_dim3A_20 : i32 to vector<16xi32>
      %gt3A = arith.cmpf ogt, %get3A_19, %broadcast_in_dim3A_13 : vector<16xf32>
      %gt3A_22 = arith.cmpf ogt, %get3A_19, %broadcast_in_dim3A_13 : vector<16xf32>
      %gt3A_23 = arith.cmpf ogt, %get3A_19, %broadcast_in_dim3A_13 : vector<16xf32>
      %gt3A_24 = arith.cmpf ogt, %get3A_19, %broadcast_in_dim3A_13 : vector<16xf32>
      %select_n3A = arith.select %gt3A, %get3A_19, %broadcast_in_dim3A_13 : vector<16xi1>, vector<16xf32>
      %select_n3A_25 = arith.select %gt3A_22, %get3A_19, %broadcast_in_dim3A_13 : vector<16xi1>, vector<16xf32>
      %select_n3A_26 = arith.select %gt3A, %broadcast_in_dim3A_13, %select_n3A_25 : vector<16xi1>, vector<16xf32>
      %select_n3A_27 = arith.select %gt3A_23, %get3A_19, %broadcast_in_dim3A_13 : vector<16xi1>, vector<16xf32>
      %select_n3A_28 = arith.select %gt3A_22, %broadcast_in_dim3A_13, %select_n3A_27 : vector<16xi1>, vector<16xf32>
      %select_n3A_29 = arith.select %gt3A_24, %get3A_19, %broadcast_in_dim3A_13 : vector<16xi1>, vector<16xf32>
      %select_n3A_30 = arith.select %gt3A_23, %broadcast_in_dim3A_13, %select_n3A_29 : vector<16xi1>, vector<16xf32>
      %select_n3A_31 = arith.select %gt3A, %broadcast_in_dim3A_21, %broadcast_in_dim3A_15 : vector<16xi1>, vector<16xi32>
      %select_n3A_32 = arith.select %gt3A_22, %broadcast_in_dim3A_21, %broadcast_in_dim3A_15 : vector<16xi1>, vector<16xi32>
      %select_n3A_33 = arith.select %gt3A, %broadcast_in_dim3A_15, %select_n3A_32 : vector<16xi1>, vector<16xi32>
      %select_n3A_34 = arith.select %gt3A_23, %broadcast_in_dim3A_21, %broadcast_in_dim3A_15 : vector<16xi1>, vector<16xi32>
      %select_n3A_35 = arith.select %gt3A_22, %broadcast_in_dim3A_15, %select_n3A_34 : vector<16xi1>, vector<16xi32>
      %select_n3A_36 = arith.select %gt3A_24, %broadcast_in_dim3A_21, %broadcast_in_dim3A_15 : vector<16xi1>, vector<16xi32>
      %select_n3A_37 = arith.select %gt3A_23, %broadcast_in_dim3A_15, %select_n3A_36 : vector<16xi1>, vector<16xi32>
      %get3A_38 = arith.constant 1 : i32
      %get3A_39 = arith.index_cast %get3A_38 : i32 to index
      %get3A_40 = arith.index_cast %multiple_of3A : i32 to index
      %get3A_41 = tpu.vector_load %arg5[%get3A_39, %get3A_40] {strides = array<i32>} : memref<32x128xf32, #tpu.memory_space<vmem>>, vector<1x16xf32>,
      %get3A_42 = vector.shape_cast %get3A_41 : vector<1x16xf32> to vector<16xf32>
      %broadcast_in_dim3A_43 = arith.constant 1 : i32
      %broadcast_in_dim3A_44 = vector.broadcast %broadcast_in_dim3A_43 : i32 to vector<16xi32>
      %gt3A_45 = arith.cmpf ogt, %get3A_42, %select_n3A : vector<16xf32>
      %gt3A_46 = arith.cmpf ogt, %get3A_42, %select_n3A_26 : vector<16xf32>
      %gt3A_47 = arith.cmpf ogt, %get3A_42, %select_n3A_28 : vector<16xf32>
      %gt3A_48 = arith.cmpf ogt, %get3A_42, %select_n3A_30 : vector<16xf32>
      %select_n3A_49 = arith.select %gt3A_45, %get3A_42, %select_n3A : vector<16xi1>, vector<16xf32>
      %select_n3A_50 = arith.select %gt3A_46, %get3A_42, %select_n3A_26 : vector<16xi1>, vector<16xf32>
      %select_n3A_51 = arith.select %gt3A_45, %select_n3A, %select_n3A_50 : vector<16xi1>, vector<16xf32>
      %select_n3A_52 = arith.select %gt3A_47, %get3A_42, %select_n3A_28 : vector<16xi1>, vector<16xf32>
      %select_n3A_53 = arith.select %gt3A_46, %select_n3A_26, %select_n3A_52 : vector<16xi1>, vector<16xf32>
      %select_n3A_54 = arith.select %gt3A_48, %get3A_42, %select_n3A_30 : vector<16xi1>, vector<16xf32>
      %select_n3A_55 = arith.select %gt3A_47, %select_n3A_28, %select_n3A_54 : vector<16xi1>, vector<16xf32>
      %select_n3A_56 = arith.select %gt3A_45, %broadcast_in_dim3A_44, %select_n3A_31 : vector<16xi1>, vector<16xi32>
      %select_n3A_57 = arith.select %gt3A_46, %broadcast_in_dim3A_44, %select_n3A_33 : vector<16xi1>, vector<16xi32>
      %select_n3A_58 = arith.select %gt3A_45, %select_n3A_31, %select_n3A_57 : vector<16xi1>, vector<16xi32>
      %select_n3A_59 = arith.select %gt3A_47, %broadcast_in_dim3A_44, %select_n3A_35 : vector<16xi1>, vector<16xi32>
      %select_n3A_60 = arith.select %gt3A_46, %select_n3A_33, %select_n3A_59 : vector<16xi1>, vector<16xi32>
      %select_n3A_61 = arith.select %gt3A_48, %broadcast_in_dim3A_44, %select_n3A_37 : vector<16xi1>, vector<16xi32>
      %select_n3A_62 = arith.select %gt3A_47, %select_n3A_35, %select_n3A_61 : vector<16xi1>, vector<16xi32>
      %get3A_63 = arith.constant 2 : i32
      %get3A_64 = arith.index_cast %get3A_63 : i32 to index
      %get3A_65 = arith.index_cast %multiple_of3A : i32 to index
      %get3A_66 = tpu.vector_load %arg5[%get3A_64, %get3A_65] {strides = array<i32>} : memref<32x128xf32, #tpu.memory_space<vmem>>, vector<1x16xf32>,
      %get3A_67 = vector.shape_cast %get3A_66 : vector<1x16xf32> to vector<16xf32>
      %broadcast_in_dim3A_68 = arith.constant 2 : i32
      %broadcast_in_dim3A_69 = vector.broadcast %broadcast_in_dim3A_68 : i32 to vector<16xi32>
      %gt3A_70 = arith.cmpf ogt, %get3A_67, %select_n3A_49 : vector<16xf32>
      %gt3A_71 = arith.cmpf ogt, %get3A_67, %select_n3A_51 : vector<16xf32>
      %gt3A_72 = arith.cmpf ogt, %get3A_67, %select_n3A_53 : vector<16xf32>
      %gt3A_73 = arith.cmpf ogt, %get3A_67, %select_n3A_55 : vector<16xf32>
      %select_n3A_74 = arith.select %gt3A_70, %get3A_67, %select_n3A_49 : vector<16xi1>, vector<16xf32>
      %select_n3A_75 = arith.select %gt3A_71, %get3A_67, %select_n3A_51 : vector<16xi1>, vector<16xf32>
      %select_n3A_76 = arith.select %gt3A_70, %select_n3A_49, %select_n3A_75 : vector<16xi1>, vector<16xf32>
      %select_n3A_77 = arith.select %gt3A_72, %get3A_67, %select_n3A_53 : vector<16xi1>, vector<16xf32>
      %select_n3A_78 = arith.select %gt3A_71, %select_n3A_51, %select_n3A_77 : vector<16xi1>, vector<16xf32>
      %select_n3A_79 = arith.select %gt3A_73, %get3A_67, %select_n3A_55 : vector<16xi1>, vector<16xf32>
      %select_n3A_80 = arith.select %gt3A_72, %select_n3A_53, %select_n3A_79 : vector<16xi1>, vector<16xf32>
      %select_n3A_81 = arith.select %gt3A_70, %broadcast_in_dim3A_69, %select_n3A_56 : vector<16xi1>, vector<16xi32>
      %select_n3A_82 = arith.select %gt3A_71, %broadcast_in_dim3A_69, %select_n3A_58 : vector<16xi1>, vector<16xi32>
      %select_n3A_83 = arith.select %gt3A_70, %select_n3A_56, %select_n3A_82 : vector<16xi1>, vector<16xi32>
      %select_n3A_84 = arith.select %gt3A_72, %broadcast_in_dim3A_69, %select_n3A_60 : vector<16xi1>, vector<16xi32>
      %select_n3A_85 = arith.select %gt3A_71, %select_n3A_58, %select_n3A_84 : vector<16xi1>, vector<16xi32>
      %select_n3A_86 = arith.select %gt3A_73, %broadcast_in_dim3A_69, %select_n3A_62 : vector<16xi1>, vector<16xi32>
      %select_n3A_87 = arith.select %gt3A_72, %select_n3A_60, %select_n3A_86 : vector<16xi1>, vector<16xi32>
      %get3A_88 = arith.constant 3 : i32
      %get3A_89 = arith.index_cast %get3A_88 : i32 to index
      %get3A_90 = arith.index_cast %multiple_of3A : i32 to index
      %get3A_91 = tpu.vector_load %arg5[%get3A_89, %get3A_90] {strides = array<i32>} : memref<32x128xf32, #tpu.memory_space<vmem>>, vector<1x16xf32>,
      %get3A_92 = vector.shape_cast %get3A_91 : vector<1x16xf32> to vector<16xf32>
      %broadcast_in_dim3A_93 = arith.constant 3 : i32
      %broadcast_in_dim3A_94 = vector.broadcast %broadcast_in_dim3A_93 : i32 to vector<16xi32>
      %gt3A_95 = arith.cmpf ogt, %get3A_92, %select_n3A_74 : vector<16xf32>
      %gt3A_96 = arith.cmpf ogt, %get3A_92, %select_n3A_76 : vector<16xf32>
      %gt3A_97 = arith.cmpf ogt, %get3A_92, %select_n3A_78 : vector<16xf32>
      %gt3A_98 = arith.cmpf ogt, %get3A_92, %select_n3A_80 : vector<16xf32>
      %select_n3A_99 = arith.select %gt3A_95, %get3A_92, %select_n3A_74 : vector<16xi1>, vector<16xf32>
      %select_n3A_100 = arith.select %gt3A_96, %get3A_92, %select_n3A_76 : vector<16xi1>, vector<16xf32>
      %select_n3A_101 = arith.select %gt3A_95, %select_n3A_74, %select_n3A_100 : vector<16xi1>, vector<16xf32>
      %select_n3A_102 = arith.select %gt3A_97, %get3A_92, %select_n3A_78 : vector<16xi1>, vector<16xf32>
      %select_n3A_103 = arith.select %gt3A_96, %select_n3A_76, %select_n3A_102 : vector<16xi1>, vector<16xf32>
      %select_n3A_104 = arith.select %gt3A_98, %get3A_92, %select_n3A_80 : vector<16xi1>, vector<16xf32>
      %select_n3A_105 = arith.select %gt3A_97, %select_n3A_78, %select_n3A_104 : vector<16xi1>, vector<16xf32>
      %select_n3A_106 = arith.select %gt3A_95, %broadcast_in_dim3A_94, %select_n3A_81 : vector<16xi1>, vector<16xi32>
      %select_n3A_107 = arith.select %gt3A_96, %broadcast_in_dim3A_94, %select_n3A_83 : vector<16xi1>, vector<16xi32>
      %select_n3A_108 = arith.select %gt3A_95, %select_n3A_81, %select_n3A_107 : vector<16xi1>, vector<16xi32>
      %select_n3A_109 = arith.select %gt3A_97, %broadcast_in_dim3A_94, %select_n3A_85 : vector<16xi1>, vector<16xi32>
      %select_n3A_110 = arith.select %gt3A_96, %select_n3A_83, %select_n3A_109 : vector<16xi1>, vector<16xi32>
      %select_n3A_111 = arith.select %gt3A_98, %broadcast_in_dim3A_94, %select_n3A_87 : vector<16xi1>, vector<16xi32>
      %select_n3A_112 = arith.select %gt3A_97, %select_n3A_85, %select_n3A_111 : vector<16xi1>, vector<16xi32>
      %get3A_113 = arith.constant 4 : i32
      %get3A_114 = arith.index_cast %get3A_113 : i32 to index
      %get3A_115 = arith.index_cast %multiple_of3A : i32 to index
      %get3A_116 = tpu.vector_load %arg5[%get3A_114, %get3A_115] {strides = array<i32>} : memref<32x128xf32, #tpu.memory_space<vmem>>, vector<1x16xf32>,
      %get3A_117 = vector.shape_cast %get3A_116 : vector<1x16xf32> to vector<16xf32>
      %broadcast_in_dim3A_118 = arith.constant 4 : i32
      %broadcast_in_dim3A_119 = vector.broadcast %broadcast_in_dim3A_118 : i32 to vector<16xi32>
      %gt3A_120 = arith.cmpf ogt, %get3A_117, %select_n3A_99 : vector<16xf32>
      %gt3A_121 = arith.cmpf ogt, %get3A_117, %select_n3A_101 : vector<16xf32>
      %gt3A_122 = arith.cmpf ogt, %get3A_117, %select_n3A_103 : vector<16xf32>
      %gt3A_123 = arith.cmpf ogt, %get3A_117, %select_n3A_105 : vector<16xf32>
      %select_n3A_124 = arith.select %gt3A_120, %get3A_117, %select_n3A_99 : vector<16xi1>, vector<16xf32>
      %select_n3A_125 = arith.select %gt3A_121, %get3A_117, %select_n3A_101 : vector<16xi1>, vector<16xf32>
      %select_n3A_126 = arith.select %gt3A_120, %select_n3A_99, %select_n3A_125 : vector<16xi1>, vector<16xf32>
      %select_n3A_127 = arith.select %gt3A_122, %get3A_117, %select_n3A_103 : vector<16xi1>, vector<16xf32>
      %select_n3A_128 = arith.select %gt3A_121, %select_n3A_101, %select_n3A_127 : vector<16xi1>, vector<16xf32>
      %select_n3A_129 = arith.select %gt3A_123, %get3A_117, %select_n3A_105 : vector<16xi1>, vector<16xf32>
      %select_n3A_130 = arith.select %gt3A_122, %select_n3A_103, %select_n3A_129 : vector<16xi1>, vector<16xf32>
      %select_n3A_131 = arith.select %gt3A_120, %broadcast_in_dim3A_119, %select_n3A_106 : vector<16xi1>, vector<16xi32>
      %select_n3A_132 = arith.select %gt3A_121, %broadcast_in_dim3A_119, %select_n3A_108 : vector<16xi1>, vector<16xi32>
      %select_n3A_133 = arith.select %gt3A_120, %select_n3A_106, %select_n3A_132 : vector<16xi1>, vector<16xi32>
      %select_n3A_134 = arith.select %gt3A_122, %broadcast_in_dim3A_119, %select_n3A_110 : vector<16xi1>, vector<16xi32>
      %select_n3A_135 = arith.select %gt3A_121, %select_n3A_108, %select_n3A_134 : vector<16xi1>, vector<16xi32>
      %select_n3A_136 = arith.select %gt3A_123, %broadcast_in_dim3A_119, %select_n3A_112 : vector<16xi1>, vector<16xi32>
      %select_n3A_137 = arith.select %gt3A_122, %select_n3A_110, %select_n3A_136 : vector<16xi1>, vector<16xi32>
      %get3A_138 = arith.constant 5 : i32
      %get3A_139 = arith.index_cast %get3A_138 : i32 to index
      %get3A_140 = arith.index_cast %multiple_of3A : i32 to index
      %get3A_141 = tpu.vector_load %arg5[%get3A_139, %get3A_140] {strides = array<i32>} : memref<32x128xf32, #tpu.memory_space<vmem>>, vector<1x16xf32>,
      %get3A_142 = vector.shape_cast %get3A_141 : vector<1x16xf32> to vector<16xf32>
      %broadcast_in_dim3A_143 = arith.constant 5 : i32
      %broadcast_in_dim3A_144 = vector.broadcast %broadcast_in_dim3A_143 : i32 to vector<16xi32>
      %gt3A_145 = arith.cmpf ogt, %get3A_142, %select_n3A_124 : vector<16xf32>
      %gt3A_146 = arith.cmpf ogt, %get3A_142, %select_n3A_126 : vector<16xf32>
      %gt3A_147 = arith.cmpf ogt, %get3A_142, %select_n3A_128 : vector<16xf32>
      %gt3A_148 = arith.cmpf ogt, %get3A_142, %select_n3A_130 : vector<16xf32>
      %select_n3A_149 = arith.select %gt3A_145, %get3A_142, %select_n3A_124 : vector<16xi1>, vector<16xf32>
      %select_n3A_150 = arith.select %gt3A_146, %get3A_142, %select_n3A_126 : vector<16xi1>, vector<16xf32>
      %select_n3A_151 = arith.select %gt3A_145, %select_n3A_124, %select_n3A_150 : vector<16xi1>, vector<16xf32>
      %select_n3A_152 = arith.select %gt3A_147, %get3A_142, %select_n3A_128 : vector<16xi1>, vector<16xf32>
      %select_n3A_153 = arith.select %gt3A_146, %select_n3A_126, %select_n3A_152 : vector<16xi1>, vector<16xf32>
      %select_n3A_154 = arith.select %gt3A_148, %get3A_142, %select_n3A_130 : vector<16xi1>, vector<16xf32>
      %select_n3A_155 = arith.select %gt3A_147, %select_n3A_128, %select_n3A_154 : vector<16xi1>, vector<16xf32>
      %select_n3A_156 = arith.select %gt3A_145, %broadcast_in_dim3A_144, %select_n3A_131 : vector<16xi1>, vector<16xi32>
      %select_n3A_157 = arith.select %gt3A_146, %broadcast_in_dim3A_144, %select_n3A_133 : vector<16xi1>, vector<16xi32>
      %select_n3A_158 = arith.select %gt3A_145, %select_n3A_131, %select_n3A_157 : vector<16xi1>, vector<16xi32>
      %select_n3A_159 = arith.select %gt3A_147, %broadcast_in_dim3A_144, %select_n3A_135 : vector<16xi1>, vector<16xi32>
      %select_n3A_160 = arith.select %gt3A_146, %select_n3A_133, %select_n3A_159 : vector<16xi1>, vector<16xi32>
      %select_n3A_161 = arith.select %gt3A_148, %broadcast_in_dim3A_144, %select_n3A_137 : vector<16xi1>, vector<16xi32>
      %select_n3A_162 = arith.select %gt3A_147, %select_n3A_135, %select_n3A_161 : vector<16xi1>, vector<16xi32>
      %get3A_163 = arith.constant 6 : i32
      %get3A_164 = arith.index_cast %get3A_163 : i32 to index
      %get3A_165 = arith.index_cast %multiple_of3A : i32 to index
      %get3A_166 = tpu.vector_load %arg5[%get3A_164, %get3A_165] {strides = array<i32>} : memref<32x128xf32, #tpu.memory_space<vmem>>, vector<1x16xf32>,
      %get3A_167 = vector.shape_cast %get3A_166 : vector<1x16xf32> to vector<16xf32>
      %broadcast_in_dim3A_168 = arith.constant 6 : i32
      %broadcast_in_dim3A_169 = vector.broadcast %broadcast_in_dim3A_168 : i32 to vector<16xi32>
      %gt3A_170 = arith.cmpf ogt, %get3A_167, %select_n3A_149 : vector<16xf32>
      %gt3A_171 = arith.cmpf ogt, %get3A_167, %select_n3A_151 : vector<16xf32>
      %gt3A_172 = arith.cmpf ogt, %get3A_167, %select_n3A_153 : vector<16xf32>
      %gt3A_173 = arith.cmpf ogt, %get3A_167, %select_n3A_155 : vector<16xf32>
      %select_n3A_174 = arith.select %gt3A_170, %get3A_167, %select_n3A_149 : vector<16xi1>, vector<16xf32>
      %select_n3A_175 = arith.select %gt3A_171, %get3A_167, %select_n3A_151 : vector<16xi1>, vector<16xf32>
      %select_n3A_176 = arith.select %gt3A_170, %select_n3A_149, %select_n3A_175 : vector<16xi1>, vector<16xf32>
      %select_n3A_177 = arith.select %gt3A_172, %get3A_167, %select_n3A_153 : vector<16xi1>, vector<16xf32>
      %select_n3A_178 = arith.select %gt3A_171, %select_n3A_151, %select_n3A_177 : vector<16xi1>, vector<16xf32>
      %select_n3A_179 = arith.select %gt3A_173, %get3A_167, %select_n3A_155 : vector<16xi1>, vector<16xf32>
      %select_n3A_180 = arith.select %gt3A_172, %select_n3A_153, %select_n3A_179 : vector<16xi1>, vector<16xf32>
      %select_n3A_181 = arith.select %gt3A_170, %broadcast_in_dim3A_169, %select_n3A_156 : vector<16xi1>, vector<16xi32>
      %select_n3A_182 = arith.select %gt3A_171, %broadcast_in_dim3A_169, %select_n3A_158 : vector<16xi1>, vector<16xi32>
      %select_n3A_183 = arith.select %gt3A_170, %select_n3A_156, %select_n3A_182 : vector<16xi1>, vector<16xi32>
      %select_n3A_184 = arith.select %gt3A_172, %broadcast_in_dim3A_169, %select_n3A_160 : vector<16xi1>, vector<16xi32>
      %select_n3A_185 = arith.select %gt3A_171, %select_n3A_158, %select_n3A_184 : vector<16xi1>, vector<16xi32>
      %select_n3A_186 = arith.select %gt3A_173, %broadcast_in_dim3A_169, %select_n3A_162 : vector<16xi1>, vector<16xi32>
      %select_n3A_187 = arith.select %gt3A_172, %select_n3A_160, %select_n3A_186 : vector<16xi1>, vector<16xi32>
      %get3A_188 = arith.constant 7 : i32
      %get3A_189 = arith.index_cast %get3A_188 : i32 to index
      %get3A_190 = arith.index_cast %multiple_of3A : i32 to index
      %get3A_191 = tpu.vector_load %arg5[%get3A_189, %get3A_190] {strides = array<i32>} : memref<32x128xf32, #tpu.memory_space<vmem>>, vector<1x16xf32>,
      %get3A_192 = vector.shape_cast %get3A_191 : vector<1x16xf32> to vector<16xf32>
      %broadcast_in_dim3A_193 = arith.constant 7 : i32
      %broadcast_in_dim3A_194 = vector.broadcast %broadcast_in_dim3A_193 : i32 to vector<16xi32>
      %gt3A_195 = arith.cmpf ogt, %get3A_192, %select_n3A_174 : vector<16xf32>
      %gt3A_196 = arith.cmpf ogt, %get3A_192, %select_n3A_176 : vector<16xf32>
      %gt3A_197 = arith.cmpf ogt, %get3A_192, %select_n3A_178 : vector<16xf32>
      %gt3A_198 = arith.cmpf ogt, %get3A_192, %select_n3A_180 : vector<16xf32>
      %select_n3A_199 = arith.select %gt3A_195, %get3A_192, %select_n3A_174 : vector<16xi1>, vector<16xf32>
      %select_n3A_200 = arith.select %gt3A_196, %get3A_192, %select_n3A_176 : vector<16xi1>, vector<16xf32>
      %select_n3A_201 = arith.select %gt3A_195, %select_n3A_174, %select_n3A_200 : vector<16xi1>, vector<16xf32>
      %select_n3A_202 = arith.select %gt3A_197, %get3A_192, %select_n3A_178 : vector<16xi1>, vector<16xf32>
      %select_n3A_203 = arith.select %gt3A_196, %select_n3A_176, %select_n3A_202 : vector<16xi1>, vector<16xf32>
      %select_n3A_204 = arith.select %gt3A_198, %get3A_192, %select_n3A_180 : vector<16xi1>, vector<16xf32>
      %select_n3A_205 = arith.select %gt3A_197, %select_n3A_178, %select_n3A_204 : vector<16xi1>, vector<16xf32>
      %select_n3A_206 = arith.select %gt3A_195, %broadcast_in_dim3A_194, %select_n3A_181 : vector<16xi1>, vector<16xi32>
      %select_n3A_207 = arith.select %gt3A_196, %broadcast_in_dim3A_194, %select_n3A_183 : vector<16xi1>, vector<16xi32>
      %select_n3A_208 = arith.select %gt3A_195, %select_n3A_181, %select_n3A_207 : vector<16xi1>, vector<16xi32>
      %select_n3A_209 = arith.select %gt3A_197, %broadcast_in_dim3A_194, %select_n3A_185 : vector<16xi1>, vector<16xi32>
      %select_n3A_210 = arith.select %gt3A_196, %select_n3A_183, %select_n3A_209 : vector<16xi1>, vector<16xi32>
      %select_n3A_211 = arith.select %gt3A_198, %broadcast_in_dim3A_194, %select_n3A_187 : vector<16xi1>, vector<16xi32>
      %select_n3A_212 = arith.select %gt3A_197, %select_n3A_185, %select_n3A_211 : vector<16xi1>, vector<16xi32>
      %get3A_213 = arith.constant 8 : i32
      %get3A_214 = arith.index_cast %get3A_213 : i32 to index
      %get3A_215 = arith.index_cast %multiple_of3A : i32 to index
      %get3A_216 = tpu.vector_load %arg5[%get3A_214, %get3A_215] {strides = array<i32>} : memref<32x128xf32, #tpu.memory_space<vmem>>, vector<1x16xf32>,
      %get3A_217 = vector.shape_cast %get3A_216 : vector<1x16xf32> to vector<16xf32>
      %broadcast_in_dim3A_218 = arith.constant 8 : i32
      %broadcast_in_dim3A_219 = vector.broadcast %broadcast_in_dim3A_218 : i32 to vector<16xi32>
      %gt3A_220 = arith.cmpf ogt, %get3A_217, %select_n3A_199 : vector<16xf32>
      %gt3A_221 = arith.cmpf ogt, %get3A_217, %select_n3A_201 : vector<16xf32>
      %gt3A_222 = arith.cmpf ogt, %get3A_217, %select_n3A_203 : vector<16xf32>
      %gt3A_223 = arith.cmpf ogt, %get3A_217, %select_n3A_205 : vector<16xf32>
      %select_n3A_224 = arith.select %gt3A_220, %get3A_217, %select_n3A_199 : vector<16xi1>, vector<16xf32>
      %select_n3A_225 = arith.select %gt3A_221, %get3A_217, %select_n3A_201 : vector<16xi1>, vector<16xf32>
      %select_n3A_226 = arith.select %gt3A_220, %select_n3A_199, %select_n3A_225 : vector<16xi1>, vector<16xf32>
      %select_n3A_227 = arith.select %gt3A_222, %get3A_217, %select_n3A_203 : vector<16xi1>, vector<16xf32>
      %select_n3A_228 = arith.select %gt3A_221, %select_n3A_201, %select_n3A_227 : vector<16xi1>, vector<16xf32>
      %select_n3A_229 = arith.select %gt3A_223, %get3A_217, %select_n3A_205 : vector<16xi1>, vector<16xf32>
      %select_n3A_230 = arith.select %gt3A_222, %select_n3A_203, %select_n3A_229 : vector<16xi1>, vector<16xf32>
      %select_n3A_231 = arith.select %gt3A_220, %broadcast_in_dim3A_219, %select_n3A_206 : vector<16xi1>, vector<16xi32>
      %select_n3A_232 = arith.select %gt3A_221, %broadcast_in_dim3A_219, %select_n3A_208 : vector<16xi1>, vector<16xi32>
      %select_n3A_233 = arith.select %gt3A_220, %select_n3A_206, %select_n3A_232 : vector<16xi1>, vector<16xi32>
      %select_n3A_234 = arith.select %gt3A_222, %broadcast_in_dim3A_219, %select_n3A_210 : vector<16xi1>, vector<16xi32>
      %select_n3A_235 = arith.select %gt3A_221, %select_n3A_208, %select_n3A_234 : vector<16xi1>, vector<16xi32>
      %select_n3A_236 = arith.select %gt3A_223, %broadcast_in_dim3A_219, %select_n3A_212 : vector<16xi1>, vector<16xi32>
      %select_n3A_237 = arith.select %gt3A_222, %select_n3A_210, %select_n3A_236 : vector<16xi1>, vector<16xi32>
      %get3A_238 = arith.constant 9 : i32
      %get3A_239 = arith.index_cast %get3A_238 : i32 to index
      %get3A_240 = arith.index_cast %multiple_of3A : i32 to index
      %get3A_241 = tpu.vector_load %arg5[%get3A_239, %get3A_240] {strides = array<i32>} : memref<32x128xf32, #tpu.memory_space<vmem>>, vector<1x16xf32>,
      %get3A_242 = vector.shape_cast %get3A_241 : vector<1x16xf32> to vector<16xf32>
      %broadcast_in_dim3A_243 = arith.constant 9 : i32
      %broadcast_in_dim3A_244 = vector.broadcast %broadcast_in_dim3A_243 : i32 to vector<16xi32>
      %gt3A_245 = arith.cmpf ogt, %get3A_242, %select_n3A_224 : vector<16xf32>
      %gt3A_246 = arith.cmpf ogt, %get3A_242, %select_n3A_226 : vector<16xf32>
      %gt3A_247 = arith.cmpf ogt, %get3A_242, %select_n3A_228 : vector<16xf32>
      %gt3A_248 = arith.cmpf ogt, %get3A_242, %select_n3A_230 : vector<16xf32>
      %select_n3A_249 = arith.select %gt3A_245, %get3A_242, %select_n3A_224 : vector<16xi1>, vector<16xf32>
      %select_n3A_250 = arith.select %gt3A_246, %get3A_242, %select_n3A_226 : vector<16xi1>, vector<16xf32>
      %select_n3A_251 = arith.select %gt3A_245, %select_n3A_224, %select_n3A_250 : vector<16xi1>, vector<16xf32>
      %select_n3A_252 = arith.select %gt3A_247, %get3A_242, %select_n3A_228 : vector<16xi1>, vector<16xf32>
      %select_n3A_253 = arith.select %gt3A_246, %select_n3A_226, %select_n3A_252 : vector<16xi1>, vector<16xf32>
      %select_n3A_254 = arith.select %gt3A_248, %get3A_242, %select_n3A_230 : vector<16xi1>, vector<16xf32>
      %select_n3A_255 = arith.select %gt3A_247, %select_n3A_228, %select_n3A_254 : vector<16xi1>, vector<16xf32>
      %select_n3A_256 = arith.select %gt3A_245, %broadcast_in_dim3A_244, %select_n3A_231 : vector<16xi1>, vector<16xi32>
      %select_n3A_257 = arith.select %gt3A_246, %broadcast_in_dim3A_244, %select_n3A_233 : vector<16xi1>, vector<16xi32>
      %select_n3A_258 = arith.select %gt3A_245, %select_n3A_231, %select_n3A_257 : vector<16xi1>, vector<16xi32>
      %select_n3A_259 = arith.select %gt3A_247, %broadcast_in_dim3A_244, %select_n3A_235 : vector<16xi1>, vector<16xi32>
      %select_n3A_260 = arith.select %gt3A_246, %select_n3A_233, %select_n3A_259 : vector<16xi1>, vector<16xi32>
      %select_n3A_261 = arith.select %gt3A_248, %broadcast_in_dim3A_244, %select_n3A_237 : vector<16xi1>, vector<16xi32>
      %select_n3A_262 = arith.select %gt3A_247, %select_n3A_235, %select_n3A_261 : vector<16xi1>, vector<16xi32>
      %get3A_263 = arith.constant 10 : i32
      %get3A_264 = arith.index_cast %get3A_263 : i32 to index
      %get3A_265 = arith.index_cast %multiple_of3A : i32 to index
      %get3A_266 = tpu.vector_load %arg5[%get3A_264, %get3A_265] {strides = array<i32>} : memref<32x128xf32, #tpu.memory_space<vmem>>, vector<1x16xf32>,
      %get3A_267 = vector.shape_cast %get3A_266 : vector<1x16xf32> to vector<16xf32>
      %broadcast_in_dim3A_268 = arith.constant 10 : i32
      %broadcast_in_dim3A_269 = vector.broadcast %broadcast_in_dim3A_268 : i32 to vector<16xi32>
      %gt3A_270 = arith.cmpf ogt, %get3A_267, %select_n3A_249 : vector<16xf32>
      %gt3A_271 = arith.cmpf ogt, %get3A_267, %select_n3A_251 : vector<16xf32>
      %gt3A_272 = arith.cmpf ogt, %get3A_267, %select_n3A_253 : vector<16xf32>
      %gt3A_273 = arith.cmpf ogt, %get3A_267, %select_n3A_255 : vector<16xf32>
      %select_n3A_274 = arith.select %gt3A_270, %get3A_267, %select_n3A_249 : vector<16xi1>, vector<16xf32>
      %select_n3A_275 = arith.select %gt3A_271, %get3A_267, %select_n3A_251 : vector<16xi1>, vector<16xf32>
      %select_n3A_276 = arith.select %gt3A_270, %select_n3A_249, %select_n3A_275 : vector<16xi1>, vector<16xf32>
      %select_n3A_277 = arith.select %gt3A_272, %get3A_267, %select_n3A_253 : vector<16xi1>, vector<16xf32>
      %select_n3A_278 = arith.select %gt3A_271, %select_n3A_251, %select_n3A_277 : vector<16xi1>, vector<16xf32>
      %select_n3A_279 = arith.select %gt3A_273, %get3A_267, %select_n3A_255 : vector<16xi1>, vector<16xf32>
      %select_n3A_280 = arith.select %gt3A_272, %select_n3A_253, %select_n3A_279 : vector<16xi1>, vector<16xf32>
      %select_n3A_281 = arith.select %gt3A_270, %broadcast_in_dim3A_269, %select_n3A_256 : vector<16xi1>, vector<16xi32>
      %select_n3A_282 = arith.select %gt3A_271, %broadcast_in_dim3A_269, %select_n3A_258 : vector<16xi1>, vector<16xi32>
      %select_n3A_283 = arith.select %gt3A_270, %select_n3A_256, %select_n3A_282 : vector<16xi1>, vector<16xi32>
      %select_n3A_284 = arith.select %gt3A_272, %broadcast_in_dim3A_269, %select_n3A_260 : vector<16xi1>, vector<16xi32>
      %select_n3A_285 = arith.select %gt3A_271, %select_n3A_258, %select_n3A_284 : vector<16xi1>, vector<16xi32>
      %select_n3A_286 = arith.select %gt3A_273, %broadcast_in_dim3A_269, %select_n3A_262 : vector<16xi1>, vector<16xi32>
      %select_n3A_287 = arith.select %gt3A_272, %select_n3A_260, %select_n3A_286 : vector<16xi1>, vector<16xi32>
      %get3A_288 = arith.constant 11 : i32
      %get3A_289 = arith.index_cast %get3A_288 : i32 to index
      %get3A_290 = arith.index_cast %multiple_of3A : i32 to index
      %get3A_291 = tpu.vector_load %arg5[%get3A_289, %get3A_290] {strides = array<i32>} : memref<32x128xf32, #tpu.memory_space<vmem>>, vector<1x16xf32>,
      %get3A_292 = vector.shape_cast %get3A_291 : vector<1x16xf32> to vector<16xf32>
      %broadcast_in_dim3A_293 = arith.constant 11 : i32
      %broadcast_in_dim3A_294 = vector.broadcast %broadcast_in_dim3A_293 : i32 to vector<16xi32>
      %gt3A_295 = arith.cmpf ogt, %get3A_292, %select_n3A_274 : vector<16xf32>
      %gt3A_296 = arith.cmpf ogt, %get3A_292, %select_n3A_276 : vector<16xf32>
      %gt3A_297 = arith.cmpf ogt, %get3A_292, %select_n3A_278 : vector<16xf32>
      %gt3A_298 = arith.cmpf ogt, %get3A_292, %select_n3A_280 : vector<16xf32>
      %select_n3A_299 = arith.select %gt3A_295, %get3A_292, %select_n3A_274 : vector<16xi1>, vector<16xf32>
      %select_n3A_300 = arith.select %gt3A_296, %get3A_292, %select_n3A_276 : vector<16xi1>, vector<16xf32>
      %select_n3A_301 = arith.select %gt3A_295, %select_n3A_274, %select_n3A_300 : vector<16xi1>, vector<16xf32>
      %select_n3A_302 = arith.select %gt3A_297, %get3A_292, %select_n3A_278 : vector<16xi1>, vector<16xf32>
      %select_n3A_303 = arith.select %gt3A_296, %select_n3A_276, %select_n3A_302 : vector<16xi1>, vector<16xf32>
      %select_n3A_304 = arith.select %gt3A_298, %get3A_292, %select_n3A_280 : vector<16xi1>, vector<16xf32>
      %select_n3A_305 = arith.select %gt3A_297, %select_n3A_278, %select_n3A_304 : vector<16xi1>, vector<16xf32>
      %select_n3A_306 = arith.select %gt3A_295, %broadcast_in_dim3A_294, %select_n3A_281 : vector<16xi1>, vector<16xi32>
      %select_n3A_307 = arith.select %gt3A_296, %broadcast_in_dim3A_294, %select_n3A_283 : vector<16xi1>, vector<16xi32>
      %select_n3A_308 = arith.select %gt3A_295, %select_n3A_281, %select_n3A_307 : vector<16xi1>, vector<16xi32>
      %select_n3A_309 = arith.select %gt3A_297, %broadcast_in_dim3A_294, %select_n3A_285 : vector<16xi1>, vector<16xi32>
      %select_n3A_310 = arith.select %gt3A_296, %select_n3A_283, %select_n3A_309 : vector<16xi1>, vector<16xi32>
      %select_n3A_311 = arith.select %gt3A_298, %broadcast_in_dim3A_294, %select_n3A_287 : vector<16xi1>, vector<16xi32>
      %select_n3A_312 = arith.select %gt3A_297, %select_n3A_285, %select_n3A_311 : vector<16xi1>, vector<16xi32>
      %get3A_313 = arith.constant 12 : i32
      %get3A_314 = arith.index_cast %get3A_313 : i32 to index
      %get3A_315 = arith.index_cast %multiple_of3A : i32 to index
      %get3A_316 = tpu.vector_load %arg5[%get3A_314, %get3A_315] {strides = array<i32>} : memref<32x128xf32, #tpu.memory_space<vmem>>, vector<1x16xf32>,
      %get3A_317 = vector.shape_cast %get3A_316 : vector<1x16xf32> to vector<16xf32>
      %broadcast_in_dim3A_318 = arith.constant 12 : i32
      %broadcast_in_dim3A_319 = vector.broadcast %broadcast_in_dim3A_318 : i32 to vector<16xi32>
      %gt3A_320 = arith.cmpf ogt, %get3A_317, %select_n3A_299 : vector<16xf32>
      %gt3A_321 = arith.cmpf ogt, %get3A_317, %select_n3A_301 : vector<16xf32>
      %gt3A_322 = arith.cmpf ogt, %get3A_317, %select_n3A_303 : vector<16xf32>
      %gt3A_323 = arith.cmpf ogt, %get3A_317, %select_n3A_305 : vector<16xf32>
      %select_n3A_324 = arith.select %gt3A_320, %get3A_317, %select_n3A_299 : vector<16xi1>, vector<16xf32>
      %select_n3A_325 = arith.select %gt3A_321, %get3A_317, %select_n3A_301 : vector<16xi1>, vector<16xf32>
      %select_n3A_326 = arith.select %gt3A_320, %select_n3A_299, %select_n3A_325 : vector<16xi1>, vector<16xf32>
      %select_n3A_327 = arith.select %gt3A_322, %get3A_317, %select_n3A_303 : vector<16xi1>, vector<16xf32>
      %select_n3A_328 = arith.select %gt3A_321, %select_n3A_301, %select_n3A_327 : vector<16xi1>, vector<16xf32>
      %select_n3A_329 = arith.select %gt3A_323, %get3A_317, %select_n3A_305 : vector<16xi1>, vector<16xf32>
      %select_n3A_330 = arith.select %gt3A_322, %select_n3A_303, %select_n3A_329 : vector<16xi1>, vector<16xf32>
      %select_n3A_331 = arith.select %gt3A_320, %broadcast_in_dim3A_319, %select_n3A_306 : vector<16xi1>, vector<16xi32>
      %select_n3A_332 = arith.select %gt3A_321, %broadcast_in_dim3A_319, %select_n3A_308 : vector<16xi1>, vector<16xi32>
      %select_n3A_333 = arith.select %gt3A_320, %select_n3A_306, %select_n3A_332 : vector<16xi1>, vector<16xi32>
      %select_n3A_334 = arith.select %gt3A_322, %broadcast_in_dim3A_319, %select_n3A_310 : vector<16xi1>, vector<16xi32>
      %select_n3A_335 = arith.select %gt3A_321, %select_n3A_308, %select_n3A_334 : vector<16xi1>, vector<16xi32>
      %select_n3A_336 = arith.select %gt3A_323, %broadcast_in_dim3A_319, %select_n3A_312 : vector<16xi1>, vector<16xi32>
      %select_n3A_337 = arith.select %gt3A_322, %select_n3A_310, %select_n3A_336 : vector<16xi1>, vector<16xi32>
      %get3A_338 = arith.constant 13 : i32
      %get3A_339 = arith.index_cast %get3A_338 : i32 to index
      %get3A_340 = arith.index_cast %multiple_of3A : i32 to index
      %get3A_341 = tpu.vector_load %arg5[%get3A_339, %get3A_340] {strides = array<i32>} : memref<32x128xf32, #tpu.memory_space<vmem>>, vector<1x16xf32>,
      %get3A_342 = vector.shape_cast %get3A_341 : vector<1x16xf32> to vector<16xf32>
      %broadcast_in_dim3A_343 = arith.constant 13 : i32
      %broadcast_in_dim3A_344 = vector.broadcast %broadcast_in_dim3A_343 : i32 to vector<16xi32>
      %gt3A_345 = arith.cmpf ogt, %get3A_342, %select_n3A_324 : vector<16xf32>
      %gt3A_346 = arith.cmpf ogt, %get3A_342, %select_n3A_326 : vector<16xf32>
      %gt3A_347 = arith.cmpf ogt, %get3A_342, %select_n3A_328 : vector<16xf32>
      %gt3A_348 = arith.cmpf ogt, %get3A_342, %select_n3A_330 : vector<16xf32>
      %select_n3A_349 = arith.select %gt3A_345, %get3A_342, %select_n3A_324 : vector<16xi1>, vector<16xf32>
      %select_n3A_350 = arith.select %gt3A_346, %get3A_342, %select_n3A_326 : vector<16xi1>, vector<16xf32>
      %select_n3A_351 = arith.select %gt3A_345, %select_n3A_324, %select_n3A_350 : vector<16xi1>, vector<16xf32>
      %select_n3A_352 = arith.select %gt3A_347, %get3A_342, %select_n3A_328 : vector<16xi1>, vector<16xf32>
      %select_n3A_353 = arith.select %gt3A_346, %select_n3A_326, %select_n3A_352 : vector<16xi1>, vector<16xf32>
      %select_n3A_354 = arith.select %gt3A_348, %get3A_342, %select_n3A_330 : vector<16xi1>, vector<16xf32>
      %select_n3A_355 = arith.select %gt3A_347, %select_n3A_328, %select_n3A_354 : vector<16xi1>, vector<16xf32>
      %select_n3A_356 = arith.select %gt3A_345, %broadcast_in_dim3A_344, %select_n3A_331 : vector<16xi1>, vector<16xi32>
      %select_n3A_357 = arith.select %gt3A_346, %broadcast_in_dim3A_344, %select_n3A_333 : vector<16xi1>, vector<16xi32>
      %select_n3A_358 = arith.select %gt3A_345, %select_n3A_331, %select_n3A_357 : vector<16xi1>, vector<16xi32>
      %select_n3A_359 = arith.select %gt3A_347, %broadcast_in_dim3A_344, %select_n3A_335 : vector<16xi1>, vector<16xi32>
      %select_n3A_360 = arith.select %gt3A_346, %select_n3A_333, %select_n3A_359 : vector<16xi1>, vector<16xi32>
      %select_n3A_361 = arith.select %gt3A_348, %broadcast_in_dim3A_344, %select_n3A_337 : vector<16xi1>, vector<16xi32>
      %select_n3A_362 = arith.select %gt3A_347, %select_n3A_335, %select_n3A_361 : vector<16xi1>, vector<16xi32>
      %get3A_363 = arith.constant 14 : i32
      %get3A_364 = arith.index_cast %get3A_363 : i32 to index
      %get3A_365 = arith.index_cast %multiple_of3A : i32 to index
      %get3A_366 = tpu.vector_load %arg5[%get3A_364, %get3A_365] {strides = array<i32>} : memref<32x128xf32, #tpu.memory_space<vmem>>, vector<1x16xf32>,
      %get3A_367 = vector.shape_cast %get3A_366 : vector<1x16xf32> to vector<16xf32>
      %broadcast_in_dim3A_368 = arith.constant 14 : i32
      %broadcast_in_dim3A_369 = vector.broadcast %broadcast_in_dim3A_368 : i32 to vector<16xi32>
      %gt3A_370 = arith.cmpf ogt, %get3A_367, %select_n3A_349 : vector<16xf32>
      %gt3A_371 = arith.cmpf ogt, %get3A_367, %select_n3A_351 : vector<16xf32>
      %gt3A_372 = arith.cmpf ogt, %get3A_367, %select_n3A_353 : vector<16xf32>
      %gt3A_373 = arith.cmpf ogt, %get3A_367, %select_n3A_355 : vector<16xf32>
      %select_n3A_374 = arith.select %gt3A_370, %get3A_367, %select_n3A_349 : vector<16xi1>, vector<16xf32>
      %select_n3A_375 = arith.select %gt3A_371, %get3A_367, %select_n3A_351 : vector<16xi1>, vector<16xf32>
      %select_n3A_376 = arith.select %gt3A_370, %select_n3A_349, %select_n3A_375 : vector<16xi1>, vector<16xf32>
      %select_n3A_377 = arith.select %gt3A_372, %get3A_367, %select_n3A_353 : vector<16xi1>, vector<16xf32>
      %select_n3A_378 = arith.select %gt3A_371, %select_n3A_351, %select_n3A_377 : vector<16xi1>, vector<16xf32>
      %select_n3A_379 = arith.select %gt3A_373, %get3A_367, %select_n3A_355 : vector<16xi1>, vector<16xf32>
      %select_n3A_380 = arith.select %gt3A_372, %select_n3A_353, %select_n3A_379 : vector<16xi1>, vector<16xf32>
      %select_n3A_381 = arith.select %gt3A_370, %broadcast_in_dim3A_369, %select_n3A_356 : vector<16xi1>, vector<16xi32>
      %select_n3A_382 = arith.select %gt3A_371, %broadcast_in_dim3A_369, %select_n3A_358 : vector<16xi1>, vector<16xi32>
      %select_n3A_383 = arith.select %gt3A_370, %select_n3A_356, %select_n3A_382 : vector<16xi1>, vector<16xi32>
      %select_n3A_384 = arith.select %gt3A_372, %broadcast_in_dim3A_369, %select_n3A_360 : vector<16xi1>, vector<16xi32>
      %select_n3A_385 = arith.select %gt3A_371, %select_n3A_358, %select_n3A_384 : vector<16xi1>, vector<16xi32>
      %select_n3A_386 = arith.select %gt3A_373, %broadcast_in_dim3A_369, %select_n3A_362 : vector<16xi1>, vector<16xi32>
      %select_n3A_387 = arith.select %gt3A_372, %select_n3A_360, %select_n3A_386 : vector<16xi1>, vector<16xi32>
      %get3A_388 = arith.constant 15 : i32
      %get3A_389 = arith.index_cast %get3A_388 : i32 to index
      %get3A_390 = arith.index_cast %multiple_of3A : i32 to index
      %get3A_391 = tpu.vector_load %arg5[%get3A_389, %get3A_390] {strides = array<i32>} : memref<32x128xf32, #tpu.memory_space<vmem>>, vector<1x16xf32>,
      %get3A_392 = vector.shape_cast %get3A_391 : vector<1x16xf32> to vector<16xf32>
      %broadcast_in_dim3A_393 = arith.constant 15 : i32
      %broadcast_in_dim3A_394 = vector.broadcast %broadcast_in_dim3A_393 : i32 to vector<16xi32>
      %gt3A_395 = arith.cmpf ogt, %get3A_392, %select_n3A_374 : vector<16xf32>
      %gt3A_396 = arith.cmpf ogt, %get3A_392, %select_n3A_376 : vector<16xf32>
      %gt3A_397 = arith.cmpf ogt, %get3A_392, %select_n3A_378 : vector<16xf32>
      %gt3A_398 = arith.cmpf ogt, %get3A_392, %select_n3A_380 : vector<16xf32>
      %select_n3A_399 = arith.select %gt3A_395, %get3A_392, %select_n3A_374 : vector<16xi1>, vector<16xf32>
      %select_n3A_400 = arith.select %gt3A_396, %get3A_392, %select_n3A_376 : vector<16xi1>, vector<16xf32>
      %select_n3A_401 = arith.select %gt3A_395, %select_n3A_374, %select_n3A_400 : vector<16xi1>, vector<16xf32>
      %select_n3A_402 = arith.select %gt3A_397, %get3A_392, %select_n3A_378 : vector<16xi1>, vector<16xf32>
      %select_n3A_403 = arith.select %gt3A_396, %select_n3A_376, %select_n3A_402 : vector<16xi1>, vector<16xf32>
      %select_n3A_404 = arith.select %gt3A_398, %get3A_392, %select_n3A_380 : vector<16xi1>, vector<16xf32>
      %select_n3A_405 = arith.select %gt3A_397, %select_n3A_378, %select_n3A_404 : vector<16xi1>, vector<16xf32>
      %select_n3A_406 = arith.select %gt3A_395, %broadcast_in_dim3A_394, %select_n3A_381 : vector<16xi1>, vector<16xi32>
      %select_n3A_407 = arith.select %gt3A_396, %broadcast_in_dim3A_394, %select_n3A_383 : vector<16xi1>, vector<16xi32>
      %select_n3A_408 = arith.select %gt3A_395, %select_n3A_381, %select_n3A_407 : vector<16xi1>, vector<16xi32>
      %select_n3A_409 = arith.select %gt3A_397, %broadcast_in_dim3A_394, %select_n3A_385 : vector<16xi1>, vector<16xi32>
      %select_n3A_410 = arith.select %gt3A_396, %select_n3A_383, %select_n3A_409 : vector<16xi1>, vector<16xi32>
      %select_n3A_411 = arith.select %gt3A_398, %broadcast_in_dim3A_394, %select_n3A_387 : vector<16xi1>, vector<16xi32>
      %select_n3A_412 = arith.select %gt3A_397, %select_n3A_385, %select_n3A_411 : vector<16xi1>, vector<16xi32>
      %get3A_413 = arith.constant 16 : i32
      %get3A_414 = arith.index_cast %get3A_413 : i32 to index
      %get3A_415 = arith.index_cast %multiple_of3A : i32 to index
      %get3A_416 = tpu.vector_load %arg5[%get3A_414, %get3A_415] {strides = array<i32>} : memref<32x128xf32, #tpu.memory_space<vmem>>, vector<1x16xf32>,
      %get3A_417 = vector.shape_cast %get3A_416 : vector<1x16xf32> to vector<16xf32>
      %broadcast_in_dim3A_418 = arith.constant 16 : i32
      %broadcast_in_dim3A_419 = vector.broadcast %broadcast_in_dim3A_418 : i32 to vector<16xi32>
      %gt3A_420 = arith.cmpf ogt, %get3A_417, %select_n3A_399 : vector<16xf32>
      %gt3A_421 = arith.cmpf ogt, %get3A_417, %select_n3A_401 : vector<16xf32>
      %gt3A_422 = arith.cmpf ogt, %get3A_417, %select_n3A_403 : vector<16xf32>
      %gt3A_423 = arith.cmpf ogt, %get3A_417, %select_n3A_405 : vector<16xf32>
      %select_n3A_424 = arith.select %gt3A_420, %get3A_417, %select_n3A_399 : vector<16xi1>, vector<16xf32>
      %select_n3A_425 = arith.select %gt3A_421, %get3A_417, %select_n3A_401 : vector<16xi1>, vector<16xf32>
      %select_n3A_426 = arith.select %gt3A_420, %select_n3A_399, %select_n3A_425 : vector<16xi1>, vector<16xf32>
      %select_n3A_427 = arith.select %gt3A_422, %get3A_417, %select_n3A_403 : vector<16xi1>, vector<16xf32>
      %select_n3A_428 = arith.select %gt3A_421, %select_n3A_401, %select_n3A_427 : vector<16xi1>, vector<16xf32>
      %select_n3A_429 = arith.select %gt3A_423, %get3A_417, %select_n3A_405 : vector<16xi1>, vector<16xf32>
      %select_n3A_430 = arith.select %gt3A_422, %select_n3A_403, %select_n3A_429 : vector<16xi1>, vector<16xf32>
      %select_n3A_431 = arith.select %gt3A_420, %broadcast_in_dim3A_419, %select_n3A_406 : vector<16xi1>, vector<16xi32>
      %select_n3A_432 = arith.select %gt3A_421, %broadcast_in_dim3A_419, %select_n3A_408 : vector<16xi1>, vector<16xi32>
      %select_n3A_433 = arith.select %gt3A_420, %select_n3A_406, %select_n3A_432 : vector<16xi1>, vector<16xi32>
      %select_n3A_434 = arith.select %gt3A_422, %broadcast_in_dim3A_419, %select_n3A_410 : vector<16xi1>, vector<16xi32>
      %select_n3A_435 = arith.select %gt3A_421, %select_n3A_408, %select_n3A_434 : vector<16xi1>, vector<16xi32>
      %select_n3A_436 = arith.select %gt3A_423, %broadcast_in_dim3A_419, %select_n3A_412 : vector<16xi1>, vector<16xi32>
      %select_n3A_437 = arith.select %gt3A_422, %select_n3A_410, %select_n3A_436 : vector<16xi1>, vector<16xi32>
      %get3A_438 = arith.constant 17 : i32
      %get3A_439 = arith.index_cast %get3A_438 : i32 to index
      %get3A_440 = arith.index_cast %multiple_of3A : i32 to index
      %get3A_441 = tpu.vector_load %arg5[%get3A_439, %get3A_440] {strides = array<i32>} : memref<32x128xf32, #tpu.memory_space<vmem>>, vector<1x16xf32>,
      %get3A_442 = vector.shape_cast %get3A_441 : vector<1x16xf32> to vector<16xf32>
      %broadcast_in_dim3A_443 = arith.constant 17 : i32
      %broadcast_in_dim3A_444 = vector.broadcast %broadcast_in_dim3A_443 : i32 to vector<16xi32>
      %gt3A_445 = arith.cmpf ogt, %get3A_442, %select_n3A_424 : vector<16xf32>
      %gt3A_446 = arith.cmpf ogt, %get3A_442, %select_n3A_426 : vector<16xf32>
      %gt3A_447 = arith.cmpf ogt, %get3A_442, %select_n3A_428 : vector<16xf32>
      %gt3A_448 = arith.cmpf ogt, %get3A_442, %select_n3A_430 : vector<16xf32>
      %select_n3A_449 = arith.select %gt3A_445, %get3A_442, %select_n3A_424 : vector<16xi1>, vector<16xf32>
      %select_n3A_450 = arith.select %gt3A_446, %get3A_442, %select_n3A_426 : vector<16xi1>, vector<16xf32>
      %select_n3A_451 = arith.select %gt3A_445, %select_n3A_424, %select_n3A_450 : vector<16xi1>, vector<16xf32>
      %select_n3A_452 = arith.select %gt3A_447, %get3A_442, %select_n3A_428 : vector<16xi1>, vector<16xf32>
      %select_n3A_453 = arith.select %gt3A_446, %select_n3A_426, %select_n3A_452 : vector<16xi1>, vector<16xf32>
      %select_n3A_454 = arith.select %gt3A_448, %get3A_442, %select_n3A_430 : vector<16xi1>, vector<16xf32>
      %select_n3A_455 = arith.select %gt3A_447, %select_n3A_428, %select_n3A_454 : vector<16xi1>, vector<16xf32>
      %select_n3A_456 = arith.select %gt3A_445, %broadcast_in_dim3A_444, %select_n3A_431 : vector<16xi1>, vector<16xi32>
      %select_n3A_457 = arith.select %gt3A_446, %broadcast_in_dim3A_444, %select_n3A_433 : vector<16xi1>, vector<16xi32>
      %select_n3A_458 = arith.select %gt3A_445, %select_n3A_431, %select_n3A_457 : vector<16xi1>, vector<16xi32>
      %select_n3A_459 = arith.select %gt3A_447, %broadcast_in_dim3A_444, %select_n3A_435 : vector<16xi1>, vector<16xi32>
      %select_n3A_460 = arith.select %gt3A_446, %select_n3A_433, %select_n3A_459 : vector<16xi1>, vector<16xi32>
      %select_n3A_461 = arith.select %gt3A_448, %broadcast_in_dim3A_444, %select_n3A_437 : vector<16xi1>, vector<16xi32>
      %select_n3A_462 = arith.select %gt3A_447, %select_n3A_435, %select_n3A_461 : vector<16xi1>, vector<16xi32>
      %get3A_463 = arith.constant 18 : i32
      %get3A_464 = arith.index_cast %get3A_463 : i32 to index
      %get3A_465 = arith.index_cast %multiple_of3A : i32 to index
      %get3A_466 = tpu.vector_load %arg5[%get3A_464, %get3A_465] {strides = array<i32>} : memref<32x128xf32, #tpu.memory_space<vmem>>, vector<1x16xf32>,
      %get3A_467 = vector.shape_cast %get3A_466 : vector<1x16xf32> to vector<16xf32>
      %broadcast_in_dim3A_468 = arith.constant 18 : i32
      %broadcast_in_dim3A_469 = vector.broadcast %broadcast_in_dim3A_468 : i32 to vector<16xi32>
      %gt3A_470 = arith.cmpf ogt, %get3A_467, %select_n3A_449 : vector<16xf32>
      %gt3A_471 = arith.cmpf ogt, %get3A_467, %select_n3A_451 : vector<16xf32>
      %gt3A_472 = arith.cmpf ogt, %get3A_467, %select_n3A_453 : vector<16xf32>
      %gt3A_473 = arith.cmpf ogt, %get3A_467, %select_n3A_455 : vector<16xf32>
      %select_n3A_474 = arith.select %gt3A_470, %get3A_467, %select_n3A_449 : vector<16xi1>, vector<16xf32>
      %select_n3A_475 = arith.select %gt3A_471, %get3A_467, %select_n3A_451 : vector<16xi1>, vector<16xf32>
      %select_n3A_476 = arith.select %gt3A_470, %select_n3A_449, %select_n3A_475 : vector<16xi1>, vector<16xf32>
      %select_n3A_477 = arith.select %gt3A_472, %get3A_467, %select_n3A_453 : vector<16xi1>, vector<16xf32>
      %select_n3A_478 = arith.select %gt3A_471, %select_n3A_451, %select_n3A_477 : vector<16xi1>, vector<16xf32>
      %select_n3A_479 = arith.select %gt3A_473, %get3A_467, %select_n3A_455 : vector<16xi1>, vector<16xf32>
      %select_n3A_480 = arith.select %gt3A_472, %select_n3A_453, %select_n3A_479 : vector<16xi1>, vector<16xf32>
      %select_n3A_481 = arith.select %gt3A_470, %broadcast_in_dim3A_469, %select_n3A_456 : vector<16xi1>, vector<16xi32>
      %select_n3A_482 = arith.select %gt3A_471, %broadcast_in_dim3A_469, %select_n3A_458 : vector<16xi1>, vector<16xi32>
      %select_n3A_483 = arith.select %gt3A_470, %select_n3A_456, %select_n3A_482 : vector<16xi1>, vector<16xi32>
      %select_n3A_484 = arith.select %gt3A_472, %broadcast_in_dim3A_469, %select_n3A_460 : vector<16xi1>, vector<16xi32>
      %select_n3A_485 = arith.select %gt3A_471, %select_n3A_458, %select_n3A_484 : vector<16xi1>, vector<16xi32>
      %select_n3A_486 = arith.select %gt3A_473, %broadcast_in_dim3A_469, %select_n3A_462 : vector<16xi1>, vector<16xi32>
      %select_n3A_487 = arith.select %gt3A_472, %select_n3A_460, %select_n3A_486 : vector<16xi1>, vector<16xi32>
      %get3A_488 = arith.constant 19 : i32
      %get3A_489 = arith.index_cast %get3A_488 : i32 to index
      %get3A_490 = arith.index_cast %multiple_of3A : i32 to index
      %get3A_491 = tpu.vector_load %arg5[%get3A_489, %get3A_490] {strides = array<i32>} : memref<32x128xf32, #tpu.memory_space<vmem>>, vector<1x16xf32>,
      %get3A_492 = vector.shape_cast %get3A_491 : vector<1x16xf32> to vector<16xf32>
      %broadcast_in_dim3A_493 = arith.constant 19 : i32
      %broadcast_in_dim3A_494 = vector.broadcast %broadcast_in_dim3A_493 : i32 to vector<16xi32>
      %gt3A_495 = arith.cmpf ogt, %get3A_492, %select_n3A_474 : vector<16xf32>
      %gt3A_496 = arith.cmpf ogt, %get3A_492, %select_n3A_476 : vector<16xf32>
      %gt3A_497 = arith.cmpf ogt, %get3A_492, %select_n3A_478 : vector<16xf32>
      %gt3A_498 = arith.cmpf ogt, %get3A_492, %select_n3A_480 : vector<16xf32>
      %select_n3A_499 = arith.select %gt3A_495, %get3A_492, %select_n3A_474 : vector<16xi1>, vector<16xf32>
      %select_n3A_500 = arith.select %gt3A_496, %get3A_492, %select_n3A_476 : vector<16xi1>, vector<16xf32>
      %select_n3A_501 = arith.select %gt3A_495, %select_n3A_474, %select_n3A_500 : vector<16xi1>, vector<16xf32>
      %select_n3A_502 = arith.select %gt3A_497, %get3A_492, %select_n3A_478 : vector<16xi1>, vector<16xf32>
      %select_n3A_503 = arith.select %gt3A_496, %select_n3A_476, %select_n3A_502 : vector<16xi1>, vector<16xf32>
      %select_n3A_504 = arith.select %gt3A_498, %get3A_492, %select_n3A_480 : vector<16xi1>, vector<16xf32>
      %select_n3A_505 = arith.select %gt3A_497, %select_n3A_478, %select_n3A_504 : vector<16xi1>, vector<16xf32>
      %select_n3A_506 = arith.select %gt3A_495, %broadcast_in_dim3A_494, %select_n3A_481 : vector<16xi1>, vector<16xi32>
      %select_n3A_507 = arith.select %gt3A_496, %broadcast_in_dim3A_494, %select_n3A_483 : vector<16xi1>, vector<16xi32>
      %select_n3A_508 = arith.select %gt3A_495, %select_n3A_481, %select_n3A_507 : vector<16xi1>, vector<16xi32>
      %select_n3A_509 = arith.select %gt3A_497, %broadcast_in_dim3A_494, %select_n3A_485 : vector<16xi1>, vector<16xi32>
      %select_n3A_510 = arith.select %gt3A_496, %select_n3A_483, %select_n3A_509 : vector<16xi1>, vector<16xi32>
      %select_n3A_511 = arith.select %gt3A_498, %broadcast_in_dim3A_494, %select_n3A_487 : vector<16xi1>, vector<16xi32>
      %select_n3A_512 = arith.select %gt3A_497, %select_n3A_485, %select_n3A_511 : vector<16xi1>, vector<16xi32>
      %get3A_513 = arith.constant 20 : i32
      %get3A_514 = arith.index_cast %get3A_513 : i32 to index
      %get3A_515 = arith.index_cast %multiple_of3A : i32 to index
      %get3A_516 = tpu.vector_load %arg5[%get3A_514, %get3A_515] {strides = array<i32>} : memref<32x128xf32, #tpu.memory_space<vmem>>, vector<1x16xf32>,
      %get3A_517 = vector.shape_cast %get3A_516 : vector<1x16xf32> to vector<16xf32>
      %broadcast_in_dim3A_518 = arith.constant 20 : i32
      %broadcast_in_dim3A_519 = vector.broadcast %broadcast_in_dim3A_518 : i32 to vector<16xi32>
      %gt3A_520 = arith.cmpf ogt, %get3A_517, %select_n3A_499 : vector<16xf32>
      %gt3A_521 = arith.cmpf ogt, %get3A_517, %select_n3A_501 : vector<16xf32>
      %gt3A_522 = arith.cmpf ogt, %get3A_517, %select_n3A_503 : vector<16xf32>
      %gt3A_523 = arith.cmpf ogt, %get3A_517, %select_n3A_505 : vector<16xf32>
      %select_n3A_524 = arith.select %gt3A_520, %get3A_517, %select_n3A_499 : vector<16xi1>, vector<16xf32>
      %select_n3A_525 = arith.select %gt3A_521, %get3A_517, %select_n3A_501 : vector<16xi1>, vector<16xf32>
      %select_n3A_526 = arith.select %gt3A_520, %select_n3A_499, %select_n3A_525 : vector<16xi1>, vector<16xf32>
      %select_n3A_527 = arith.select %gt3A_522, %get3A_517, %select_n3A_503 : vector<16xi1>, vector<16xf32>
      %select_n3A_528 = arith.select %gt3A_521, %select_n3A_501, %select_n3A_527 : vector<16xi1>, vector<16xf32>
      %select_n3A_529 = arith.select %gt3A_523, %get3A_517, %select_n3A_505 : vector<16xi1>, vector<16xf32>
      %select_n3A_530 = arith.select %gt3A_522, %select_n3A_503, %select_n3A_529 : vector<16xi1>, vector<16xf32>
      %select_n3A_531 = arith.select %gt3A_520, %broadcast_in_dim3A_519, %select_n3A_506 : vector<16xi1>, vector<16xi32>
      %select_n3A_532 = arith.select %gt3A_521, %broadcast_in_dim3A_519, %select_n3A_508 : vector<16xi1>, vector<16xi32>
      %select_n3A_533 = arith.select %gt3A_520, %select_n3A_506, %select_n3A_532 : vector<16xi1>, vector<16xi32>
      %select_n3A_534 = arith.select %gt3A_522, %broadcast_in_dim3A_519, %select_n3A_510 : vector<16xi1>, vector<16xi32>
      %select_n3A_535 = arith.select %gt3A_521, %select_n3A_508, %select_n3A_534 : vector<16xi1>, vector<16xi32>
      %select_n3A_536 = arith.select %gt3A_523, %broadcast_in_dim3A_519, %select_n3A_512 : vector<16xi1>, vector<16xi32>
      %select_n3A_537 = arith.select %gt3A_522, %select_n3A_510, %select_n3A_536 : vector<16xi1>, vector<16xi32>
      %get3A_538 = arith.constant 21 : i32
      %get3A_539 = arith.index_cast %get3A_538 : i32 to index
      %get3A_540 = arith.index_cast %multiple_of3A : i32 to index
      %get3A_541 = tpu.vector_load %arg5[%get3A_539, %get3A_540] {strides = array<i32>} : memref<32x128xf32, #tpu.memory_space<vmem>>, vector<1x16xf32>,
      %get3A_542 = vector.shape_cast %get3A_541 : vector<1x16xf32> to vector<16xf32>
      %broadcast_in_dim3A_543 = arith.constant 21 : i32
      %broadcast_in_dim3A_544 = vector.broadcast %broadcast_in_dim3A_543 : i32 to vector<16xi32>
      %gt3A_545 = arith.cmpf ogt, %get3A_542, %select_n3A_524 : vector<16xf32>
      %gt3A_546 = arith.cmpf ogt, %get3A_542, %select_n3A_526 : vector<16xf32>
      %gt3A_547 = arith.cmpf ogt, %get3A_542, %select_n3A_528 : vector<16xf32>
      %gt3A_548 = arith.cmpf ogt, %get3A_542, %select_n3A_530 : vector<16xf32>
      %select_n3A_549 = arith.select %gt3A_545, %get3A_542, %select_n3A_524 : vector<16xi1>, vector<16xf32>
      %select_n3A_550 = arith.select %gt3A_546, %get3A_542, %select_n3A_526 : vector<16xi1>, vector<16xf32>
      %select_n3A_551 = arith.select %gt3A_545, %select_n3A_524, %select_n3A_550 : vector<16xi1>, vector<16xf32>
      %select_n3A_552 = arith.select %gt3A_547, %get3A_542, %select_n3A_528 : vector<16xi1>, vector<16xf32>
      %select_n3A_553 = arith.select %gt3A_546, %select_n3A_526, %select_n3A_552 : vector<16xi1>, vector<16xf32>
      %select_n3A_554 = arith.select %gt3A_548, %get3A_542, %select_n3A_530 : vector<16xi1>, vector<16xf32>
      %select_n3A_555 = arith.select %gt3A_547, %select_n3A_528, %select_n3A_554 : vector<16xi1>, vector<16xf32>
      %select_n3A_556 = arith.select %gt3A_545, %broadcast_in_dim3A_544, %select_n3A_531 : vector<16xi1>, vector<16xi32>
      %select_n3A_557 = arith.select %gt3A_546, %broadcast_in_dim3A_544, %select_n3A_533 : vector<16xi1>, vector<16xi32>
      %select_n3A_558 = arith.select %gt3A_545, %select_n3A_531, %select_n3A_557 : vector<16xi1>, vector<16xi32>
      %select_n3A_559 = arith.select %gt3A_547, %broadcast_in_dim3A_544, %select_n3A_535 : vector<16xi1>, vector<16xi32>
      %select_n3A_560 = arith.select %gt3A_546, %select_n3A_533, %select_n3A_559 : vector<16xi1>, vector<16xi32>
      %select_n3A_561 = arith.select %gt3A_548, %broadcast_in_dim3A_544, %select_n3A_537 : vector<16xi1>, vector<16xi32>
      %select_n3A_562 = arith.select %gt3A_547, %select_n3A_535, %select_n3A_561 : vector<16xi1>, vector<16xi32>
      %get3A_563 = arith.constant 22 : i32
      %get3A_564 = arith.index_cast %get3A_563 : i32 to index
      %get3A_565 = arith.index_cast %multiple_of3A : i32 to index
      %get3A_566 = tpu.vector_load %arg5[%get3A_564, %get3A_565] {strides = array<i32>} : memref<32x128xf32, #tpu.memory_space<vmem>>, vector<1x16xf32>,
      %get3A_567 = vector.shape_cast %get3A_566 : vector<1x16xf32> to vector<16xf32>
      %broadcast_in_dim3A_568 = arith.constant 22 : i32
      %broadcast_in_dim3A_569 = vector.broadcast %broadcast_in_dim3A_568 : i32 to vector<16xi32>
      %gt3A_570 = arith.cmpf ogt, %get3A_567, %select_n3A_549 : vector<16xf32>
      %gt3A_571 = arith.cmpf ogt, %get3A_567, %select_n3A_551 : vector<16xf32>
      %gt3A_572 = arith.cmpf ogt, %get3A_567, %select_n3A_553 : vector<16xf32>
      %gt3A_573 = arith.cmpf ogt, %get3A_567, %select_n3A_555 : vector<16xf32>
      %select_n3A_574 = arith.select %gt3A_570, %get3A_567, %select_n3A_549 : vector<16xi1>, vector<16xf32>
      %select_n3A_575 = arith.select %gt3A_571, %get3A_567, %select_n3A_551 : vector<16xi1>, vector<16xf32>
      %select_n3A_576 = arith.select %gt3A_570, %select_n3A_549, %select_n3A_575 : vector<16xi1>, vector<16xf32>
      %select_n3A_577 = arith.select %gt3A_572, %get3A_567, %select_n3A_553 : vector<16xi1>, vector<16xf32>
      %select_n3A_578 = arith.select %gt3A_571, %select_n3A_551, %select_n3A_577 : vector<16xi1>, vector<16xf32>
      %select_n3A_579 = arith.select %gt3A_573, %get3A_567, %select_n3A_555 : vector<16xi1>, vector<16xf32>
      %select_n3A_580 = arith.select %gt3A_572, %select_n3A_553, %select_n3A_579 : vector<16xi1>, vector<16xf32>
      %select_n3A_581 = arith.select %gt3A_570, %broadcast_in_dim3A_569, %select_n3A_556 : vector<16xi1>, vector<16xi32>
      %select_n3A_582 = arith.select %gt3A_571, %broadcast_in_dim3A_569, %select_n3A_558 : vector<16xi1>, vector<16xi32>
      %select_n3A_583 = arith.select %gt3A_570, %select_n3A_556, %select_n3A_582 : vector<16xi1>, vector<16xi32>
      %select_n3A_584 = arith.select %gt3A_572, %broadcast_in_dim3A_569, %select_n3A_560 : vector<16xi1>, vector<16xi32>
      %select_n3A_585 = arith.select %gt3A_571, %select_n3A_558, %select_n3A_584 : vector<16xi1>, vector<16xi32>
      %select_n3A_586 = arith.select %gt3A_573, %broadcast_in_dim3A_569, %select_n3A_562 : vector<16xi1>, vector<16xi32>
      %select_n3A_587 = arith.select %gt3A_572, %select_n3A_560, %select_n3A_586 : vector<16xi1>, vector<16xi32>
      %get3A_588 = arith.constant 23 : i32
      %get3A_589 = arith.index_cast %get3A_588 : i32 to index
      %get3A_590 = arith.index_cast %multiple_of3A : i32 to index
      %get3A_591 = tpu.vector_load %arg5[%get3A_589, %get3A_590] {strides = array<i32>} : memref<32x128xf32, #tpu.memory_space<vmem>>, vector<1x16xf32>,
      %get3A_592 = vector.shape_cast %get3A_591 : vector<1x16xf32> to vector<16xf32>
      %broadcast_in_dim3A_593 = arith.constant 23 : i32
      %broadcast_in_dim3A_594 = vector.broadcast %broadcast_in_dim3A_593 : i32 to vector<16xi32>
      %gt3A_595 = arith.cmpf ogt, %get3A_592, %select_n3A_574 : vector<16xf32>
      %gt3A_596 = arith.cmpf ogt, %get3A_592, %select_n3A_576 : vector<16xf32>
      %gt3A_597 = arith.cmpf ogt, %get3A_592, %select_n3A_578 : vector<16xf32>
      %gt3A_598 = arith.cmpf ogt, %get3A_592, %select_n3A_580 : vector<16xf32>
      %select_n3A_599 = arith.select %gt3A_595, %get3A_592, %select_n3A_574 : vector<16xi1>, vector<16xf32>
      %select_n3A_600 = arith.select %gt3A_596, %get3A_592, %select_n3A_576 : vector<16xi1>, vector<16xf32>
      %select_n3A_601 = arith.select %gt3A_595, %select_n3A_574, %select_n3A_600 : vector<16xi1>, vector<16xf32>
      %select_n3A_602 = arith.select %gt3A_597, %get3A_592, %select_n3A_578 : vector<16xi1>, vector<16xf32>
      %select_n3A_603 = arith.select %gt3A_596, %select_n3A_576, %select_n3A_602 : vector<16xi1>, vector<16xf32>
      %select_n3A_604 = arith.select %gt3A_598, %get3A_592, %select_n3A_580 : vector<16xi1>, vector<16xf32>
      %select_n3A_605 = arith.select %gt3A_597, %select_n3A_578, %select_n3A_604 : vector<16xi1>, vector<16xf32>
      %select_n3A_606 = arith.select %gt3A_595, %broadcast_in_dim3A_594, %select_n3A_581 : vector<16xi1>, vector<16xi32>
      %select_n3A_607 = arith.select %gt3A_596, %broadcast_in_dim3A_594, %select_n3A_583 : vector<16xi1>, vector<16xi32>
      %select_n3A_608 = arith.select %gt3A_595, %select_n3A_581, %select_n3A_607 : vector<16xi1>, vector<16xi32>
      %select_n3A_609 = arith.select %gt3A_597, %broadcast_in_dim3A_594, %select_n3A_585 : vector<16xi1>, vector<16xi32>
      %select_n3A_610 = arith.select %gt3A_596, %select_n3A_583, %select_n3A_609 : vector<16xi1>, vector<16xi32>
      %select_n3A_611 = arith.select %gt3A_598, %broadcast_in_dim3A_594, %select_n3A_587 : vector<16xi1>, vector<16xi32>
      %select_n3A_612 = arith.select %gt3A_597, %select_n3A_585, %select_n3A_611 : vector<16xi1>, vector<16xi32>
      %get3A_613 = arith.constant 24 : i32
      %get3A_614 = arith.index_cast %get3A_613 : i32 to index
      %get3A_615 = arith.index_cast %multiple_of3A : i32 to index
      %get3A_616 = tpu.vector_load %arg5[%get3A_614, %get3A_615] {strides = array<i32>} : memref<32x128xf32, #tpu.memory_space<vmem>>, vector<1x16xf32>,
      %get3A_617 = vector.shape_cast %get3A_616 : vector<1x16xf32> to vector<16xf32>
      %broadcast_in_dim3A_618 = arith.constant 24 : i32
      %broadcast_in_dim3A_619 = vector.broadcast %broadcast_in_dim3A_618 : i32 to vector<16xi32>
      %gt3A_620 = arith.cmpf ogt, %get3A_617, %select_n3A_599 : vector<16xf32>
      %gt3A_621 = arith.cmpf ogt, %get3A_617, %select_n3A_601 : vector<16xf32>
      %gt3A_622 = arith.cmpf ogt, %get3A_617, %select_n3A_603 : vector<16xf32>
      %gt3A_623 = arith.cmpf ogt, %get3A_617, %select_n3A_605 : vector<16xf32>
      %select_n3A_624 = arith.select %gt3A_620, %get3A_617, %select_n3A_599 : vector<16xi1>, vector<16xf32>
      %select_n3A_625 = arith.select %gt3A_621, %get3A_617, %select_n3A_601 : vector<16xi1>, vector<16xf32>
      %select_n3A_626 = arith.select %gt3A_620, %select_n3A_599, %select_n3A_625 : vector<16xi1>, vector<16xf32>
      %select_n3A_627 = arith.select %gt3A_622, %get3A_617, %select_n3A_603 : vector<16xi1>, vector<16xf32>
      %select_n3A_628 = arith.select %gt3A_621, %select_n3A_601, %select_n3A_627 : vector<16xi1>, vector<16xf32>
      %select_n3A_629 = arith.select %gt3A_623, %get3A_617, %select_n3A_605 : vector<16xi1>, vector<16xf32>
      %select_n3A_630 = arith.select %gt3A_622, %select_n3A_603, %select_n3A_629 : vector<16xi1>, vector<16xf32>
      %select_n3A_631 = arith.select %gt3A_620, %broadcast_in_dim3A_619, %select_n3A_606 : vector<16xi1>, vector<16xi32>
      %select_n3A_632 = arith.select %gt3A_621, %broadcast_in_dim3A_619, %select_n3A_608 : vector<16xi1>, vector<16xi32>
      %select_n3A_633 = arith.select %gt3A_620, %select_n3A_606, %select_n3A_632 : vector<16xi1>, vector<16xi32>
      %select_n3A_634 = arith.select %gt3A_622, %broadcast_in_dim3A_619, %select_n3A_610 : vector<16xi1>, vector<16xi32>
      %select_n3A_635 = arith.select %gt3A_621, %select_n3A_608, %select_n3A_634 : vector<16xi1>, vector<16xi32>
      %select_n3A_636 = arith.select %gt3A_623, %broadcast_in_dim3A_619, %select_n3A_612 : vector<16xi1>, vector<16xi32>
      %select_n3A_637 = arith.select %gt3A_622, %select_n3A_610, %select_n3A_636 : vector<16xi1>, vector<16xi32>
      %get3A_638 = arith.constant 25 : i32
      %get3A_639 = arith.index_cast %get3A_638 : i32 to index
      %get3A_640 = arith.index_cast %multiple_of3A : i32 to index
      %get3A_641 = tpu.vector_load %arg5[%get3A_639, %get3A_640] {strides = array<i32>} : memref<32x128xf32, #tpu.memory_space<vmem>>, vector<1x16xf32>,
      %get3A_642 = vector.shape_cast %get3A_641 : vector<1x16xf32> to vector<16xf32>
      %broadcast_in_dim3A_643 = arith.constant 25 : i32
      %broadcast_in_dim3A_644 = vector.broadcast %broadcast_in_dim3A_643 : i32 to vector<16xi32>
      %gt3A_645 = arith.cmpf ogt, %get3A_642, %select_n3A_624 : vector<16xf32>
      %gt3A_646 = arith.cmpf ogt, %get3A_642, %select_n3A_626 : vector<16xf32>
      %gt3A_647 = arith.cmpf ogt, %get3A_642, %select_n3A_628 : vector<16xf32>
      %gt3A_648 = arith.cmpf ogt, %get3A_642, %select_n3A_630 : vector<16xf32>
      %select_n3A_649 = arith.select %gt3A_645, %get3A_642, %select_n3A_624 : vector<16xi1>, vector<16xf32>
      %select_n3A_650 = arith.select %gt3A_646, %get3A_642, %select_n3A_626 : vector<16xi1>, vector<16xf32>
      %select_n3A_651 = arith.select %gt3A_645, %select_n3A_624, %select_n3A_650 : vector<16xi1>, vector<16xf32>
      %select_n3A_652 = arith.select %gt3A_647, %get3A_642, %select_n3A_628 : vector<16xi1>, vector<16xf32>
      %select_n3A_653 = arith.select %gt3A_646, %select_n3A_626, %select_n3A_652 : vector<16xi1>, vector<16xf32>
      %select_n3A_654 = arith.select %gt3A_648, %get3A_642, %select_n3A_630 : vector<16xi1>, vector<16xf32>
      %select_n3A_655 = arith.select %gt3A_647, %select_n3A_628, %select_n3A_654 : vector<16xi1>, vector<16xf32>
      %select_n3A_656 = arith.select %gt3A_645, %broadcast_in_dim3A_644, %select_n3A_631 : vector<16xi1>, vector<16xi32>
      %select_n3A_657 = arith.select %gt3A_646, %broadcast_in_dim3A_644, %select_n3A_633 : vector<16xi1>, vector<16xi32>
      %select_n3A_658 = arith.select %gt3A_645, %select_n3A_631, %select_n3A_657 : vector<16xi1>, vector<16xi32>
      %select_n3A_659 = arith.select %gt3A_647, %broadcast_in_dim3A_644, %select_n3A_635 : vector<16xi1>, vector<16xi32>
      %select_n3A_660 = arith.select %gt3A_646, %select_n3A_633, %select_n3A_659 : vector<16xi1>, vector<16xi32>
      %select_n3A_661 = arith.select %gt3A_648, %broadcast_in_dim3A_644, %select_n3A_637 : vector<16xi1>, vector<16xi32>
      %select_n3A_662 = arith.select %gt3A_647, %select_n3A_635, %select_n3A_661 : vector<16xi1>, vector<16xi32>
      %get3A_663 = arith.constant 26 : i32
      %get3A_664 = arith.index_cast %get3A_663 : i32 to index
      %get3A_665 = arith.index_cast %multiple_of3A : i32 to index
      %get3A_666 = tpu.vector_load %arg5[%get3A_664, %get3A_665] {strides = array<i32>} : memref<32x128xf32, #tpu.memory_space<vmem>>, vector<1x16xf32>,
      %get3A_667 = vector.shape_cast %get3A_666 : vector<1x16xf32> to vector<16xf32>
      %broadcast_in_dim3A_668 = arith.constant 26 : i32
      %broadcast_in_dim3A_669 = vector.broadcast %broadcast_in_dim3A_668 : i32 to vector<16xi32>
      %gt3A_670 = arith.cmpf ogt, %get3A_667, %select_n3A_649 : vector<16xf32>
      %gt3A_671 = arith.cmpf ogt, %get3A_667, %select_n3A_651 : vector<16xf32>
      %gt3A_672 = arith.cmpf ogt, %get3A_667, %select_n3A_653 : vector<16xf32>
      %gt3A_673 = arith.cmpf ogt, %get3A_667, %select_n3A_655 : vector<16xf32>
      %select_n3A_674 = arith.select %gt3A_670, %get3A_667, %select_n3A_649 : vector<16xi1>, vector<16xf32>
      %select_n3A_675 = arith.select %gt3A_671, %get3A_667, %select_n3A_651 : vector<16xi1>, vector<16xf32>
      %select_n3A_676 = arith.select %gt3A_670, %select_n3A_649, %select_n3A_675 : vector<16xi1>, vector<16xf32>
      %select_n3A_677 = arith.select %gt3A_672, %get3A_667, %select_n3A_653 : vector<16xi1>, vector<16xf32>
      %select_n3A_678 = arith.select %gt3A_671, %select_n3A_651, %select_n3A_677 : vector<16xi1>, vector<16xf32>
      %select_n3A_679 = arith.select %gt3A_673, %get3A_667, %select_n3A_655 : vector<16xi1>, vector<16xf32>
      %select_n3A_680 = arith.select %gt3A_672, %select_n3A_653, %select_n3A_679 : vector<16xi1>, vector<16xf32>
      %select_n3A_681 = arith.select %gt3A_670, %broadcast_in_dim3A_669, %select_n3A_656 : vector<16xi1>, vector<16xi32>
      %select_n3A_682 = arith.select %gt3A_671, %broadcast_in_dim3A_669, %select_n3A_658 : vector<16xi1>, vector<16xi32>
      %select_n3A_683 = arith.select %gt3A_670, %select_n3A_656, %select_n3A_682 : vector<16xi1>, vector<16xi32>
      %select_n3A_684 = arith.select %gt3A_672, %broadcast_in_dim3A_669, %select_n3A_660 : vector<16xi1>, vector<16xi32>
      %select_n3A_685 = arith.select %gt3A_671, %select_n3A_658, %select_n3A_684 : vector<16xi1>, vector<16xi32>
      %select_n3A_686 = arith.select %gt3A_673, %broadcast_in_dim3A_669, %select_n3A_662 : vector<16xi1>, vector<16xi32>
      %select_n3A_687 = arith.select %gt3A_672, %select_n3A_660, %select_n3A_686 : vector<16xi1>, vector<16xi32>
      %get3A_688 = arith.constant 27 : i32
      %get3A_689 = arith.index_cast %get3A_688 : i32 to index
      %get3A_690 = arith.index_cast %multiple_of3A : i32 to index
      %get3A_691 = tpu.vector_load %arg5[%get3A_689, %get3A_690] {strides = array<i32>} : memref<32x128xf32, #tpu.memory_space<vmem>>, vector<1x16xf32>,
      %get3A_692 = vector.shape_cast %get3A_691 : vector<1x16xf32> to vector<16xf32>
      %broadcast_in_dim3A_693 = arith.constant 27 : i32
      %broadcast_in_dim3A_694 = vector.broadcast %broadcast_in_dim3A_693 : i32 to vector<16xi32>
      %gt3A_695 = arith.cmpf ogt, %get3A_692, %select_n3A_674 : vector<16xf32>
      %gt3A_696 = arith.cmpf ogt, %get3A_692, %select_n3A_676 : vector<16xf32>
      %gt3A_697 = arith.cmpf ogt, %get3A_692, %select_n3A_678 : vector<16xf32>
      %gt3A_698 = arith.cmpf ogt, %get3A_692, %select_n3A_680 : vector<16xf32>
      %select_n3A_699 = arith.select %gt3A_695, %get3A_692, %select_n3A_674 : vector<16xi1>, vector<16xf32>
      %select_n3A_700 = arith.select %gt3A_696, %get3A_692, %select_n3A_676 : vector<16xi1>, vector<16xf32>
      %select_n3A_701 = arith.select %gt3A_695, %select_n3A_674, %select_n3A_700 : vector<16xi1>, vector<16xf32>
      %select_n3A_702 = arith.select %gt3A_697, %get3A_692, %select_n3A_678 : vector<16xi1>, vector<16xf32>
      %select_n3A_703 = arith.select %gt3A_696, %select_n3A_676, %select_n3A_702 : vector<16xi1>, vector<16xf32>
      %select_n3A_704 = arith.select %gt3A_698, %get3A_692, %select_n3A_680 : vector<16xi1>, vector<16xf32>
      %select_n3A_705 = arith.select %gt3A_697, %select_n3A_678, %select_n3A_704 : vector<16xi1>, vector<16xf32>
      %select_n3A_706 = arith.select %gt3A_695, %broadcast_in_dim3A_694, %select_n3A_681 : vector<16xi1>, vector<16xi32>
      %select_n3A_707 = arith.select %gt3A_696, %broadcast_in_dim3A_694, %select_n3A_683 : vector<16xi1>, vector<16xi32>
      %select_n3A_708 = arith.select %gt3A_695, %select_n3A_681, %select_n3A_707 : vector<16xi1>, vector<16xi32>
      %select_n3A_709 = arith.select %gt3A_697, %broadcast_in_dim3A_694, %select_n3A_685 : vector<16xi1>, vector<16xi32>
      %select_n3A_710 = arith.select %gt3A_696, %select_n3A_683, %select_n3A_709 : vector<16xi1>, vector<16xi32>
      %select_n3A_711 = arith.select %gt3A_698, %broadcast_in_dim3A_694, %select_n3A_687 : vector<16xi1>, vector<16xi32>
      %select_n3A_712 = arith.select %gt3A_697, %select_n3A_685, %select_n3A_711 : vector<16xi1>, vector<16xi32>
      %get3A_713 = arith.constant 28 : i32
      %get3A_714 = arith.index_cast %get3A_713 : i32 to index
      %get3A_715 = arith.index_cast %multiple_of3A : i32 to index
      %get3A_716 = tpu.vector_load %arg5[%get3A_714, %get3A_715] {strides = array<i32>} : memref<32x128xf32, #tpu.memory_space<vmem>>, vector<1x16xf32>,
      %get3A_717 = vector.shape_cast %get3A_716 : vector<1x16xf32> to vector<16xf32>
      %broadcast_in_dim3A_718 = arith.constant 28 : i32
      %broadcast_in_dim3A_719 = vector.broadcast %broadcast_in_dim3A_718 : i32 to vector<16xi32>
      %gt3A_720 = arith.cmpf ogt, %get3A_717, %select_n3A_699 : vector<16xf32>
      %gt3A_721 = arith.cmpf ogt, %get3A_717, %select_n3A_701 : vector<16xf32>
      %gt3A_722 = arith.cmpf ogt, %get3A_717, %select_n3A_703 : vector<16xf32>
      %gt3A_723 = arith.cmpf ogt, %get3A_717, %select_n3A_705 : vector<16xf32>
      %select_n3A_724 = arith.select %gt3A_720, %get3A_717, %select_n3A_699 : vector<16xi1>, vector<16xf32>
      %select_n3A_725 = arith.select %gt3A_721, %get3A_717, %select_n3A_701 : vector<16xi1>, vector<16xf32>
      %select_n3A_726 = arith.select %gt3A_720, %select_n3A_699, %select_n3A_725 : vector<16xi1>, vector<16xf32>
      %select_n3A_727 = arith.select %gt3A_722, %get3A_717, %select_n3A_703 : vector<16xi1>, vector<16xf32>
      %select_n3A_728 = arith.select %gt3A_721, %select_n3A_701, %select_n3A_727 : vector<16xi1>, vector<16xf32>
      %select_n3A_729 = arith.select %gt3A_723, %get3A_717, %select_n3A_705 : vector<16xi1>, vector<16xf32>
      %select_n3A_730 = arith.select %gt3A_722, %select_n3A_703, %select_n3A_729 : vector<16xi1>, vector<16xf32>
      %select_n3A_731 = arith.select %gt3A_720, %broadcast_in_dim3A_719, %select_n3A_706 : vector<16xi1>, vector<16xi32>
      %select_n3A_732 = arith.select %gt3A_721, %broadcast_in_dim3A_719, %select_n3A_708 : vector<16xi1>, vector<16xi32>
      %select_n3A_733 = arith.select %gt3A_720, %select_n3A_706, %select_n3A_732 : vector<16xi1>, vector<16xi32>
      %select_n3A_734 = arith.select %gt3A_722, %broadcast_in_dim3A_719, %select_n3A_710 : vector<16xi1>, vector<16xi32>
      %select_n3A_735 = arith.select %gt3A_721, %select_n3A_708, %select_n3A_734 : vector<16xi1>, vector<16xi32>
      %select_n3A_736 = arith.select %gt3A_723, %broadcast_in_dim3A_719, %select_n3A_712 : vector<16xi1>, vector<16xi32>
      %select_n3A_737 = arith.select %gt3A_722, %select_n3A_710, %select_n3A_736 : vector<16xi1>, vector<16xi32>
      %get3A_738 = arith.constant 29 : i32
      %get3A_739 = arith.index_cast %get3A_738 : i32 to index
      %get3A_740 = arith.index_cast %multiple_of3A : i32 to index
      %get3A_741 = tpu.vector_load %arg5[%get3A_739, %get3A_740] {strides = array<i32>} : memref<32x128xf32, #tpu.memory_space<vmem>>, vector<1x16xf32>,
      %get3A_742 = vector.shape_cast %get3A_741 : vector<1x16xf32> to vector<16xf32>
      %broadcast_in_dim3A_743 = arith.constant 29 : i32
      %broadcast_in_dim3A_744 = vector.broadcast %broadcast_in_dim3A_743 : i32 to vector<16xi32>
      %gt3A_745 = arith.cmpf ogt, %get3A_742, %select_n3A_724 : vector<16xf32>
      %gt3A_746 = arith.cmpf ogt, %get3A_742, %select_n3A_726 : vector<16xf32>
      %gt3A_747 = arith.cmpf ogt, %get3A_742, %select_n3A_728 : vector<16xf32>
      %gt3A_748 = arith.cmpf ogt, %get3A_742, %select_n3A_730 : vector<16xf32>
      %select_n3A_749 = arith.select %gt3A_745, %get3A_742, %select_n3A_724 : vector<16xi1>, vector<16xf32>
      %select_n3A_750 = arith.select %gt3A_746, %get3A_742, %select_n3A_726 : vector<16xi1>, vector<16xf32>
      %select_n3A_751 = arith.select %gt3A_745, %select_n3A_724, %select_n3A_750 : vector<16xi1>, vector<16xf32>
      %select_n3A_752 = arith.select %gt3A_747, %get3A_742, %select_n3A_728 : vector<16xi1>, vector<16xf32>
      %select_n3A_753 = arith.select %gt3A_746, %select_n3A_726, %select_n3A_752 : vector<16xi1>, vector<16xf32>
      %select_n3A_754 = arith.select %gt3A_748, %get3A_742, %select_n3A_730 : vector<16xi1>, vector<16xf32>
      %select_n3A_755 = arith.select %gt3A_747, %select_n3A_728, %select_n3A_754 : vector<16xi1>, vector<16xf32>
      %select_n3A_756 = arith.select %gt3A_745, %broadcast_in_dim3A_744, %select_n3A_731 : vector<16xi1>, vector<16xi32>
      %select_n3A_757 = arith.select %gt3A_746, %broadcast_in_dim3A_744, %select_n3A_733 : vector<16xi1>, vector<16xi32>
      %select_n3A_758 = arith.select %gt3A_745, %select_n3A_731, %select_n3A_757 : vector<16xi1>, vector<16xi32>
      %select_n3A_759 = arith.select %gt3A_747, %broadcast_in_dim3A_744, %select_n3A_735 : vector<16xi1>, vector<16xi32>
      %select_n3A_760 = arith.select %gt3A_746, %select_n3A_733, %select_n3A_759 : vector<16xi1>, vector<16xi32>
      %select_n3A_761 = arith.select %gt3A_748, %broadcast_in_dim3A_744, %select_n3A_737 : vector<16xi1>, vector<16xi32>
      %select_n3A_762 = arith.select %gt3A_747, %select_n3A_735, %select_n3A_761 : vector<16xi1>, vector<16xi32>
      %get3A_763 = arith.constant 30 : i32
      %get3A_764 = arith.index_cast %get3A_763 : i32 to index
      %get3A_765 = arith.index_cast %multiple_of3A : i32 to index
      %get3A_766 = tpu.vector_load %arg5[%get3A_764, %get3A_765] {strides = array<i32>} : memref<32x128xf32, #tpu.memory_space<vmem>>, vector<1x16xf32>,
      %get3A_767 = vector.shape_cast %get3A_766 : vector<1x16xf32> to vector<16xf32>
      %broadcast_in_dim3A_768 = arith.constant 30 : i32
      %broadcast_in_dim3A_769 = vector.broadcast %broadcast_in_dim3A_768 : i32 to vector<16xi32>
      %gt3A_770 = arith.cmpf ogt, %get3A_767, %select_n3A_749 : vector<16xf32>
      %gt3A_771 = arith.cmpf ogt, %get3A_767, %select_n3A_751 : vector<16xf32>
      %gt3A_772 = arith.cmpf ogt, %get3A_767, %select_n3A_753 : vector<16xf32>
      %gt3A_773 = arith.cmpf ogt, %get3A_767, %select_n3A_755 : vector<16xf32>
      %select_n3A_774 = arith.select %gt3A_770, %get3A_767, %select_n3A_749 : vector<16xi1>, vector<16xf32>
      %select_n3A_775 = arith.select %gt3A_771, %get3A_767, %select_n3A_751 : vector<16xi1>, vector<16xf32>
      %select_n3A_776 = arith.select %gt3A_770, %select_n3A_749, %select_n3A_775 : vector<16xi1>, vector<16xf32>
      %select_n3A_777 = arith.select %gt3A_772, %get3A_767, %select_n3A_753 : vector<16xi1>, vector<16xf32>
      %select_n3A_778 = arith.select %gt3A_771, %select_n3A_751, %select_n3A_777 : vector<16xi1>, vector<16xf32>
      %select_n3A_779 = arith.select %gt3A_773, %get3A_767, %select_n3A_755 : vector<16xi1>, vector<16xf32>
      %select_n3A_780 = arith.select %gt3A_772, %select_n3A_753, %select_n3A_779 : vector<16xi1>, vector<16xf32>
      %select_n3A_781 = arith.select %gt3A_770, %broadcast_in_dim3A_769, %select_n3A_756 : vector<16xi1>, vector<16xi32>
      %select_n3A_782 = arith.select %gt3A_771, %broadcast_in_dim3A_769, %select_n3A_758 : vector<16xi1>, vector<16xi32>
      %select_n3A_783 = arith.select %gt3A_770, %select_n3A_756, %select_n3A_782 : vector<16xi1>, vector<16xi32>
      %select_n3A_784 = arith.select %gt3A_772, %broadcast_in_dim3A_769, %select_n3A_760 : vector<16xi1>, vector<16xi32>
      %select_n3A_785 = arith.select %gt3A_771, %select_n3A_758, %select_n3A_784 : vector<16xi1>, vector<16xi32>
      %select_n3A_786 = arith.select %gt3A_773, %broadcast_in_dim3A_769, %select_n3A_762 : vector<16xi1>, vector<16xi32>
      %select_n3A_787 = arith.select %gt3A_772, %select_n3A_760, %select_n3A_786 : vector<16xi1>, vector<16xi32>
      %get3A_788 = arith.constant 31 : i32
      %get3A_789 = arith.index_cast %get3A_788 : i32 to index
      %get3A_790 = arith.index_cast %multiple_of3A : i32 to index
      %get3A_791 = tpu.vector_load %arg5[%get3A_789, %get3A_790] {strides = array<i32>} : memref<32x128xf32, #tpu.memory_space<vmem>>, vector<1x16xf32>,
      %get3A_792 = vector.shape_cast %get3A_791 : vector<1x16xf32> to vector<16xf32>
      %broadcast_in_dim3A_793 = arith.constant 31 : i32
      %broadcast_in_dim3A_794 = vector.broadcast %broadcast_in_dim3A_793 : i32 to vector<16xi32>
      %gt3A_795 = arith.cmpf ogt, %get3A_792, %select_n3A_774 : vector<16xf32>
      %gt3A_796 = arith.cmpf ogt, %get3A_792, %select_n3A_776 : vector<16xf32>
      %gt3A_797 = arith.cmpf ogt, %get3A_792, %select_n3A_778 : vector<16xf32>
      %gt3A_798 = arith.cmpf ogt, %get3A_792, %select_n3A_780 : vector<16xf32>
      %select_n3A_799 = arith.select %gt3A_795, %get3A_792, %select_n3A_774 : vector<16xi1>, vector<16xf32>
      %select_n3A_800 = arith.select %gt3A_796, %get3A_792, %select_n3A_776 : vector<16xi1>, vector<16xf32>
      %select_n3A_801 = arith.select %gt3A_795, %select_n3A_774, %select_n3A_800 : vector<16xi1>, vector<16xf32>
      %select_n3A_802 = arith.select %gt3A_797, %get3A_792, %select_n3A_778 : vector<16xi1>, vector<16xf32>
      %select_n3A_803 = arith.select %gt3A_796, %select_n3A_776, %select_n3A_802 : vector<16xi1>, vector<16xf32>
      %select_n3A_804 = arith.select %gt3A_798, %get3A_792, %select_n3A_780 : vector<16xi1>, vector<16xf32>
      %select_n3A_805 = arith.select %gt3A_797, %select_n3A_778, %select_n3A_804 : vector<16xi1>, vector<16xf32>
      %select_n3A_806 = arith.select %gt3A_795, %broadcast_in_dim3A_794, %select_n3A_781 : vector<16xi1>, vector<16xi32>
      %select_n3A_807 = arith.select %gt3A_796, %broadcast_in_dim3A_794, %select_n3A_783 : vector<16xi1>, vector<16xi32>
      %select_n3A_808 = arith.select %gt3A_795, %select_n3A_781, %select_n3A_807 : vector<16xi1>, vector<16xi32>
      %select_n3A_809 = arith.select %gt3A_797, %broadcast_in_dim3A_794, %select_n3A_785 : vector<16xi1>, vector<16xi32>
      %select_n3A_810 = arith.select %gt3A_796, %select_n3A_783, %select_n3A_809 : vector<16xi1>, vector<16xi32>
      %select_n3A_811 = arith.select %gt3A_798, %broadcast_in_dim3A_794, %select_n3A_787 : vector<16xi1>, vector<16xi32>
      %select_n3A_812 = arith.select %gt3A_797, %select_n3A_785, %select_n3A_811 : vector<16xi1>, vector<16xi32>
      %sub3A = arith.subf %select_n3A_799, %select_n3A_799 : vector<16xf32>
      %exp3A = math.exp %sub3A : vector<16xf32>
      %sub3A_813 = arith.subf %select_n3A_801, %select_n3A_799 : vector<16xf32>
      %exp3A_814 = math.exp %sub3A_813 : vector<16xf32>
      %sub3A_815 = arith.subf %select_n3A_803, %select_n3A_799 : vector<16xf32>
      %exp3A_816 = math.exp %sub3A_815 : vector<16xf32>
      %sub3A_817 = arith.subf %select_n3A_805, %select_n3A_799 : vector<16xf32>
      %exp3A_818 = math.exp %sub3A_817 : vector<16xf32>
      %add3A_819 = arith.addf %exp3A, %exp3A_814 : vector<16xf32>
      %add3A_820 = arith.addf %add3A_819, %exp3A_816 : vector<16xf32>
      %add3A_821 = arith.addf %add3A_820, %exp3A_818 : vector<16xf32>
      %div3A = arith.divf %exp3A, %add3A_821 : vector<16xf32>
      %div3A_822 = arith.divf %exp3A_814, %add3A_821 : vector<16xf32>
      %div3A_823 = arith.divf %exp3A_816, %add3A_821 : vector<16xf32>
      %div3A_824 = arith.divf %exp3A_818, %add3A_821 : vector<16xf32>
      %add3A_825 = vector.broadcast %multiple_of3A : i32 to vector<16xi32>
      %add3A_826 = arith.addi %add3A_825, %iota3A : vector<16xi32>
      %mul3A_827 = arith.constant 4 : i32
      %mul3A_828 = vector.broadcast %mul3A_827 : i32 to vector<16xi32>
      %mul3A_829 = arith.muli %add3A_826, %mul3A_828 : vector<16xi32>
      %add3A_830 = arith.constant 0 : i32
      %add3A_831 = vector.broadcast %add3A_830 : i32 to vector<16xi32>
      %add3A_832 = arith.addi %mul3A_829, %add3A_831 : vector<16xi32>
      %mul3A_833 = arith.constant 4 : i32
      %mul3A_834 = arith.muli %multiple_of3A, %mul3A_833 : i32
      %add3A_835 = arith.constant 0 : i32
      %add3A_836 = arith.addi %mul3A_834, %add3A_835 : i32
      %swap3A = arith.index_cast %add3A_836 : i32 to index
      %swap3A_837 = tpu.vector_load %arg6[%swap3A] {strides = array<i32>} : memref<512xi32, #tpu.memory_space<vmem>>, vector<16xi32>,
      %swap3A_838 = vector.shape_cast %swap3A_837 : vector<16xi32> to vector<16xi32>
      %swap3A_839 = vector.shape_cast %select_n3A_806 : vector<16xi32> to vector<16xi32>
      tpu.vector_store %arg6[%swap3A], %swap3A_839 {strides = array<i32>} : memref<512xi32, #tpu.memory_space<vmem>>, vector<16xi32>,
      %mul3A_840 = arith.constant 4 : i32
      %mul3A_841 = arith.muli %multiple_of3A, %mul3A_840 : i32
      %add3A_842 = arith.constant 0 : i32
      %add3A_843 = arith.addi %mul3A_841, %add3A_842 : i32
      %swap3A_844 = arith.index_cast %add3A_843 : i32 to index
      %swap3A_845 = tpu.vector_load %arg7[%swap3A_844] {strides = array<i32>} : memref<512xf32, #tpu.memory_space<vmem>>, vector<16xf32>,
      %swap3A_846 = vector.shape_cast %swap3A_845 : vector<16xf32> to vector<16xf32>
      %swap3A_847 = vector.shape_cast %div3A : vector<16xf32> to vector<16xf32>
      tpu.vector_store %arg7[%swap3A_844], %swap3A_847 {strides = array<i32>} : memref<512xf32, #tpu.memory_space<vmem>>, vector<16xf32>,
      %add3A_848 = vector.broadcast %multiple_of3A : i32 to vector<16xi32>
      %add3A_849 = arith.addi %add3A_848, %iota3A : vector<16xi32>
      %mul3A_850 = arith.constant 4 : i32
      %mul3A_851 = vector.broadcast %mul3A_850 : i32 to vector<16xi32>
      %mul3A_852 = arith.muli %add3A_849, %mul3A_851 : vector<16xi32>
      %add3A_853 = arith.constant 1 : i32
      %add3A_854 = vector.broadcast %add3A_853 : i32 to vector<16xi32>
      %add3A_855 = arith.addi %mul3A_852, %add3A_854 : vector<16xi32>
      %mul3A_856 = arith.constant 4 : i32
      %mul3A_857 = arith.muli %multiple_of3A, %mul3A_856 : i32
      %add3A_858 = arith.constant 16 : i32
      %add3A_859 = arith.addi %mul3A_857, %add3A_858 : i32
      %swap3A_860 = arith.index_cast %add3A_859 : i32 to index
      %swap3A_861 = tpu.vector_load %arg6[%swap3A_860] {strides = array<i32>} : memref<512xi32, #tpu.memory_space<vmem>>, vector<16xi32>,
      %swap3A_862 = vector.shape_cast %swap3A_861 : vector<16xi32> to vector<16xi32>
      %swap3A_863 = vector.shape_cast %select_n3A_808 : vector<16xi32> to vector<16xi32>
      tpu.vector_store %arg6[%swap3A_860], %swap3A_863 {strides = array<i32>} : memref<512xi32, #tpu.memory_space<vmem>>, vector<16xi32>,
      %mul3A_864 = arith.constant 4 : i32
      %mul3A_865 = arith.muli %multiple_of3A, %mul3A_864 : i32
      %add3A_866 = arith.constant 16 : i32
      %add3A_867 = arith.addi %mul3A_865, %add3A_866 : i32
      %swap3A_868 = arith.index_cast %add3A_867 : i32 to index
      %swap3A_869 = tpu.vector_load %arg7[%swap3A_868] {strides = array<i32>} : memref<512xf32, #tpu.memory_space<vmem>>, vector<16xf32>,
      %swap3A_870 = vector.shape_cast %swap3A_869 : vector<16xf32> to vector<16xf32>
      %swap3A_871 = vector.shape_cast %div3A_822 : vector<16xf32> to vector<16xf32>
      tpu.vector_store %arg7[%swap3A_868], %swap3A_871 {strides = array<i32>} : memref<512xf32, #tpu.memory_space<vmem>>, vector<16xf32>,
      %add3A_872 = vector.broadcast %multiple_of3A : i32 to vector<16xi32>
      %add3A_873 = arith.addi %add3A_872, %iota3A : vector<16xi32>
      %mul3A_874 = arith.constant 4 : i32
      %mul3A_875 = vector.broadcast %mul3A_874 : i32 to vector<16xi32>
      %mul3A_876 = arith.muli %add3A_873, %mul3A_875 : vector<16xi32>
      %add3A_877 = arith.constant 2 : i32
      %add3A_878 = vector.broadcast %add3A_877 : i32 to vector<16xi32>
      %add3A_879 = arith.addi %mul3A_876, %add3A_878 : vector<16xi32>
      %mul3A_880 = arith.constant 4 : i32
      %mul3A_881 = arith.muli %multiple_of3A, %mul3A_880 : i32
      %add3A_882 = arith.constant 32 : i32
      %add3A_883 = arith.addi %mul3A_881, %add3A_882 : i32
      %swap3A_884 = arith.index_cast %add3A_883 : i32 to index
      %swap3A_885 = tpu.vector_load %arg6[%swap3A_884] {strides = array<i32>} : memref<512xi32, #tpu.memory_space<vmem>>, vector<16xi32>,
      %swap3A_886 = vector.shape_cast %swap3A_885 : vector<16xi32> to vector<16xi32>
      %swap3A_887 = vector.shape_cast %select_n3A_810 : vector<16xi32> to vector<16xi32>
      tpu.vector_store %arg6[%swap3A_884], %swap3A_887 {strides = array<i32>} : memref<512xi32, #tpu.memory_space<vmem>>, vector<16xi32>,
      %mul3A_888 = arith.constant 4 : i32
      %mul3A_889 = arith.muli %multiple_of3A, %mul3A_888 : i32
      %add3A_890 = arith.constant 32 : i32
      %add3A_891 = arith.addi %mul3A_889, %add3A_890 : i32
      %swap3A_892 = arith.index_cast %add3A_891 : i32 to index
      %swap3A_893 = tpu.vector_load %arg7[%swap3A_892] {strides = array<i32>} : memref<512xf32, #tpu.memory_space<vmem>>, vector<16xf32>,
      %swap3A_894 = vector.shape_cast %swap3A_893 : vector<16xf32> to vector<16xf32>
      %swap3A_895 = vector.shape_cast %div3A_823 : vector<16xf32> to vector<16xf32>
      tpu.vector_store %arg7[%swap3A_892], %swap3A_895 {strides = array<i32>} : memref<512xf32, #tpu.memory_space<vmem>>, vector<16xf32>,
      %add3A_896 = vector.broadcast %multiple_of3A : i32 to vector<16xi32>
      %add3A_897 = arith.addi %add3A_896, %iota3A : vector<16xi32>
      %mul3A_898 = arith.constant 4 : i32
      %mul3A_899 = vector.broadcast %mul3A_898 : i32 to vector<16xi32>
      %mul3A_900 = arith.muli %add3A_897, %mul3A_899 : vector<16xi32>
      %add3A_901 = arith.constant 3 : i32
      %add3A_902 = vector.broadcast %add3A_901 : i32 to vector<16xi32>
      %add3A_903 = arith.addi %mul3A_900, %add3A_902 : vector<16xi32>
      %mul3A_904 = arith.constant 4 : i32
      %mul3A_905 = arith.muli %multiple_of3A, %mul3A_904 : i32
      %add3A_906 = arith.constant 48 : i32
      %add3A_907 = arith.addi %mul3A_905, %add3A_906 : i32
      %swap3A_908 = arith.index_cast %add3A_907 : i32 to index
      %swap3A_909 = tpu.vector_load %arg6[%swap3A_908] {strides = array<i32>} : memref<512xi32, #tpu.memory_space<vmem>>, vector<16xi32>,
      %swap3A_910 = vector.shape_cast %swap3A_909 : vector<16xi32> to vector<16xi32>
      %swap3A_911 = vector.shape_cast %select_n3A_812 : vector<16xi32> to vector<16xi32>
      tpu.vector_store %arg6[%swap3A_908], %swap3A_911 {strides = array<i32>} : memref<512xi32, #tpu.memory_space<vmem>>, vector<16xi32>,
      %mul3A_912 = arith.constant 4 : i32
      %mul3A_913 = arith.muli %multiple_of3A, %mul3A_912 : i32
      %add3A_914 = arith.constant 48 : i32
      %add3A_915 = arith.addi %mul3A_913, %add3A_914 : i32
      %swap3A_916 = arith.index_cast %add3A_915 : i32 to index
      %swap3A_917 = tpu.vector_load %arg7[%swap3A_916] {strides = array<i32>} : memref<512xf32, #tpu.memory_space<vmem>>, vector<16xf32>,
      %swap3A_918 = vector.shape_cast %swap3A_917 : vector<16xf32> to vector<16xf32>
      %swap3A_919 = vector.shape_cast %div3A_824 : vector<16xf32> to vector<16xf32>
      tpu.vector_store %arg7[%swap3A_916], %swap3A_919 {strides = array<i32>} : memref<512xf32, #tpu.memory_space<vmem>>, vector<16xf32>,
    }
    %scan3A_5 = arith.constant 8 : i32
    %mul3A_6 = arith.constant 512 : i32
    %mul3A_7 = arith.muli %add3A, %mul3A_6 : i32
    "tpu.region"() ({
      %run_scoped3A = tpu.sem_alloc : memref<!tpu.dma_semaphore, #tpu.memory_space<semaphore_mem>>
      %dma_start3A = tpu.memref_slice %arg3[%mul3A_7] : memref<16384xi32, #tpu.memory_space<hbm>> -> memref<512xi32, #tpu.memory_space<hbm>>
      %dma_start3A_10 = tpu.memref_slice %arg3[%mul3A_7] : memref<16384xi32, #tpu.memory_space<hbm>> -> memref<512xi32, #tpu.memory_space<hbm>>
      tpu.enqueue_dma source(%arg6 : memref<512xi32, #tpu.memory_space<vmem>>) target(%dma_start3A_10 : memref<512xi32, #tpu.memory_space<hbm>>) target_semaphore(%run_scoped3A : memref<!tpu.dma_semaphore, #tpu.memory_space<semaphore_mem>>)
      %dma_wait3A = tpu.memref_slice %arg3[%mul3A_7] : memref<16384xi32, #tpu.memory_space<hbm>> -> memref<512xi32, #tpu.memory_space<hbm>>
      %dma_wait3A_11 = tpu.memref_slice %arg3[%mul3A_7] : memref<16384xi32, #tpu.memory_space<hbm>> -> memref<512xi32, #tpu.memory_space<hbm>>
      tpu.wait_dma2 semaphore(%run_scoped3A : memref<!tpu.dma_semaphore, #tpu.memory_space<semaphore_mem>>) src(%arg6 : memref<512xi32, #tpu.memory_space<vmem>>) dst(%dma_wait3A_11 : memref<512xi32, #tpu.memory_space<hbm>>)
      tpu.yield
    }) : () -> ()
    %mul3A_8 = arith.constant 512 : i32
    %mul3A_9 = arith.muli %add3A, %mul3A_8 : i32
    "tpu.region"() ({
      %run_scoped3A = tpu.sem_alloc : memref<!tpu.dma_semaphore, #tpu.memory_space<semaphore_mem>>
      %dma_start3A = tpu.memref_slice %arg4[%mul3A_9] : memref<16384xf32, #tpu.memory_space<hbm>> -> memref<512xf32, #tpu.memory_space<hbm>>
      %dma_start3A_10 = tpu.memref_slice %arg4[%mul3A_9] : memref<16384xf32, #tpu.memory_space<hbm>> -> memref<512xf32, #tpu.memory_space<hbm>>
      tpu.enqueue_dma source(%arg7 : memref<512xf32, #tpu.memory_space<vmem>>) target(%dma_start3A_10 : memref<512xf32, #tpu.memory_space<hbm>>) target_semaphore(%run_scoped3A : memref<!tpu.dma_semaphore, #tpu.memory_space<semaphore_mem>>)
      %dma_wait3A = tpu.memref_slice %arg4[%mul3A_9] : memref<16384xf32, #tpu.memory_space<hbm>> -> memref<512xf32, #tpu.memory_space<hbm>>
      %dma_wait3A_11 = tpu.memref_slice %arg4[%mul3A_9] : memref<16384xf32, #tpu.memory_space<hbm>> -> memref<512xf32, #tpu.memory_space<hbm>>
      tpu.wait_dma2 semaphore(%run_scoped3A : memref<!tpu.dma_semaphore, #tpu.memory_space<semaphore_mem>>) src(%arg7 : memref<512xf32, #tpu.memory_space<vmem>>) dst(%dma_wait3A_11 : memref<512xf32, #tpu.memory_space<hbm>>)
      tpu.yield
    }) : () -> ()
    return
  }
}

module attributes {stable_mosaic.version = 14 : i64} {
  func.func @_tc_body(%arg0: i32, %arg1: i32, %arg2: memref<1x1x512xf32, #tpu.memory_space<vmem>>, %arg3: memref<1x2880x512xf32, #tpu.memory_space<vmem>>, %arg4: memref<32x2880xf32, #tpu.memory_space<vmem>>, %arg5: memref<32x1xf32, #tpu.memory_space<vmem>>, %arg6: memref<1x2880x512xf32, #tpu.memory_space<vmem>>, %arg7: memref<4x32x128xf32, #tpu.memory_space<vmem>>) attributes {dimension_semantics = [#tpu.dimension_semantics<arbitrary>, #tpu.dimension_semantics<arbitrary>], iteration_bounds = array<i64: 2, 4>, scalar_prefetch = 0 : i64, scratch_operands = 0 : i64, tpu.core_type = #tpu.core_type<tc>, window_params = [{transform_indices = @transform_0, window_bounds = array<i64: 1, 1, 512>}, {transform_indices = @transform_1, window_bounds = array<i64: 1, 2880, 512>}, {pipeline_mode = #tpu.pipeline_mode<synchronous>, transform_indices = @transform_2, window_bounds = array<i64: 32, 2880>}, {pipeline_mode = #tpu.pipeline_mode<synchronous>, transform_indices = @transform_3, window_bounds = array<i64: 32, 1>}, {transform_indices = @transform_4, window_bounds = array<i64: 1, 2880, 512>}, {transform_indices = @transform_5, window_bounds = array<i64: 4, 32, 128>}]} {
    %get3A = arith.constant 0 : index
    %get3A_0 = arith.constant 0 : index
    %get3A_1 = arith.constant 0 : index
    %get3A_2 = vector.load %arg2[%get3A, %get3A_0, %get3A_1] : memref<1x1x512xf32, #tpu.memory_space<vmem>>, vector<1x1x512xf32>
    %squeeze3A = vector.shape_cast %get3A_2 : vector<1x1x512xf32> to vector<1x512xf32>
    %get3A_3 = arith.constant 0 : index
    %get3A_4 = arith.constant 0 : index
    %get3A_5 = arith.constant 0 : index
    %get3A_6 = vector.load %arg3[%get3A_3, %get3A_4, %get3A_5] : memref<1x2880x512xf32, #tpu.memory_space<vmem>>, vector<1x2880x512xf32>
    %squeeze3A_7 = vector.shape_cast %get3A_6 : vector<1x2880x512xf32> to vector<2880x512xf32>
    %mul3A = arith.mulf %squeeze3A, %squeeze3A : vector<1x512xf32>
    %mul3A_8 = arith.mulf %mul3A, %squeeze3A : vector<1x512xf32>
    %mul3A_9 = vector.broadcast %mul3A_8 : vector<1x512xf32> to vector<2880x512xf32>
    %mul3A_10 = arith.mulf %squeeze3A_7, %mul3A_9 : vector<2880x512xf32>
    %mul3A_11 = vector.broadcast %squeeze3A : vector<1x512xf32> to vector<2880x512xf32>
    %mul3A_12 = arith.mulf %mul3A_10, %mul3A_11 : vector<2880x512xf32>
    %broadcast_in_dim3A = vector.shape_cast %mul3A_12 : vector<2880x512xf32> to vector<1x2880x512xf32>
    %swap3A = arith.constant 0 : index
    %swap3A_13 = arith.constant 0 : index
    %swap3A_14 = arith.constant 0 : index
    %swap3A_15 = vector.load %arg6[%swap3A, %swap3A_13, %swap3A_14] : memref<1x2880x512xf32, #tpu.memory_space<vmem>>, vector<1x2880x512xf32>
    tpu.vector_store %arg6[%swap3A, %swap3A_13, %swap3A_14], %broadcast_in_dim3A {strides = array<i32>} : memref<1x2880x512xf32, #tpu.memory_space<vmem>>, vector<1x2880x512xf32>,
    %get3A_16 = arith.constant 0 : index
    %get3A_17 = arith.constant 0 : index
    %get3A_18 = vector.load %arg4[%get3A_16, %get3A_17] : memref<32x2880xf32, #tpu.memory_space<vmem>>, vector<32x2880xf32>
    %dot_general3A = arith.constant dense<0.000000e+00> : vector<32x512xf32>
    %dot_general3A_19 = tpu.matmul %get3A_18, %mul3A_10, %dot_general3A {dimension_numbers = #tpu.dot_dimension_numbers<[1], [0], [0], [1], [0, 0, 1, 1], [], []>, transpose_lhs_hint = false} : vector<32x2880xf32>, vector<2880x512xf32>, vector<32x512xf32> -> vector<32x512xf32>
    %get3A_20 = arith.constant 0 : index
    %get3A_21 = arith.constant 0 : index
    %get3A_22 = vector.load %arg5[%get3A_20, %get3A_21] : memref<32x1xf32, #tpu.memory_space<vmem>>, vector<32x1xf32>
    %add3A = vector.broadcast %get3A_22 : vector<32x1xf32> to vector<32x512xf32>
    %add3A_23 = arith.addf %dot_general3A_19, %add3A : vector<32x512xf32>
    %slice3A = vector.extract_strided_slice %add3A_23 {offsets = [0, 0], sizes = [32, 128], strides = [1, 1]} : vector<32x512xf32> to vector<32x128xf32>
    %swap3A_24 = arith.constant 0 : index
    %swap3A_25 = arith.constant 0 : index
    %swap3A_26 = arith.constant 0 : index
    %swap3A_27 = vector.load %arg7[%swap3A_24, %swap3A_25, %swap3A_26] : memref<4x32x128xf32, #tpu.memory_space<vmem>>, vector<1x32x128xf32>
    %swap3A_28 = vector.shape_cast %swap3A_27 : vector<1x32x128xf32> to vector<32x128xf32>
    %swap3A_29 = vector.shape_cast %slice3A : vector<32x128xf32> to vector<1x32x128xf32>
    tpu.vector_store %arg7[%swap3A_24, %swap3A_25, %swap3A_26], %swap3A_29 {strides = array<i32>} : memref<4x32x128xf32, #tpu.memory_space<vmem>>, vector<1x32x128xf32>,
    %slice3A_30 = vector.extract_strided_slice %add3A_23 {offsets = [0, 128], sizes = [32, 128], strides = [1, 1]} : vector<32x512xf32> to vector<32x128xf32>
    %swap3A_31 = arith.constant 1 : index
    %swap3A_32 = arith.constant 0 : index
    %swap3A_33 = arith.constant 0 : index
    %swap3A_34 = vector.load %arg7[%swap3A_31, %swap3A_32, %swap3A_33] : memref<4x32x128xf32, #tpu.memory_space<vmem>>, vector<1x32x128xf32>
    %swap3A_35 = vector.shape_cast %swap3A_34 : vector<1x32x128xf32> to vector<32x128xf32>
    %swap3A_36 = vector.shape_cast %slice3A_30 : vector<32x128xf32> to vector<1x32x128xf32>
    tpu.vector_store %arg7[%swap3A_31, %swap3A_32, %swap3A_33], %swap3A_36 {strides = array<i32>} : memref<4x32x128xf32, #tpu.memory_space<vmem>>, vector<1x32x128xf32>,
    %slice3A_37 = vector.extract_strided_slice %add3A_23 {offsets = [0, 256], sizes = [32, 128], strides = [1, 1]} : vector<32x512xf32> to vector<32x128xf32>
    %swap3A_38 = arith.constant 2 : index
    %swap3A_39 = arith.constant 0 : index
    %swap3A_40 = arith.constant 0 : index
    %swap3A_41 = vector.load %arg7[%swap3A_38, %swap3A_39, %swap3A_40] : memref<4x32x128xf32, #tpu.memory_space<vmem>>, vector<1x32x128xf32>
    %swap3A_42 = vector.shape_cast %swap3A_41 : vector<1x32x128xf32> to vector<32x128xf32>
    %swap3A_43 = vector.shape_cast %slice3A_37 : vector<32x128xf32> to vector<1x32x128xf32>
    tpu.vector_store %arg7[%swap3A_38, %swap3A_39, %swap3A_40], %swap3A_43 {strides = array<i32>} : memref<4x32x128xf32, #tpu.memory_space<vmem>>, vector<1x32x128xf32>,
    %slice3A_44 = vector.extract_strided_slice %add3A_23 {offsets = [0, 384], sizes = [32, 128], strides = [1, 1]} : vector<32x512xf32> to vector<32x128xf32>
    %swap3A_45 = arith.constant 3 : index
    %swap3A_46 = arith.constant 0 : index
    %swap3A_47 = arith.constant 0 : index
    %swap3A_48 = vector.load %arg7[%swap3A_45, %swap3A_46, %swap3A_47] : memref<4x32x128xf32, #tpu.memory_space<vmem>>, vector<1x32x128xf32>
    %swap3A_49 = vector.shape_cast %swap3A_48 : vector<1x32x128xf32> to vector<32x128xf32>
    %swap3A_50 = vector.shape_cast %slice3A_44 : vector<32x128xf32> to vector<1x32x128xf32>
    tpu.vector_store %arg7[%swap3A_45, %swap3A_46, %swap3A_47], %swap3A_50 {strides = array<i32>} : memref<4x32x128xf32, #tpu.memory_space<vmem>>, vector<1x32x128xf32>,
    return
  }
  func.func @transform_0(%arg0: i32, %arg1: i32) -> (i32, i32, i32) {
    %c0_i32 = arith.constant 0 : i32
    %c0_i32_0 = arith.constant 0 : i32
    return %arg0, %c0_i32, %arg1 : i32, i32, i32
  }
  func.func @transform_1(%arg0: i32, %arg1: i32) -> (i32, i32, i32) {
    %c0_i32 = arith.constant 0 : i32
    %c0_i32_0 = arith.constant 0 : i32
    return %arg0, %c0_i32, %arg1 : i32, i32, i32
  }
  func.func @transform_2(%arg0: i32, %arg1: i32) -> (i32, i32) {
    %c0_i32 = arith.constant 0 : i32
    %c0_i32_0 = arith.constant 0 : i32
    %c0_i32_1 = arith.constant 0 : i32
    return %c0_i32, %c0_i32_0 : i32, i32
  }
  func.func @transform_3(%arg0: i32, %arg1: i32) -> (i32, i32) {
    %c0_i32 = arith.constant 0 : i32
    %c0_i32_0 = arith.constant 0 : i32
    %c0_i32_1 = arith.constant 0 : i32
    return %c0_i32, %c0_i32_0 : i32, i32
  }
  func.func @transform_4(%arg0: i32, %arg1: i32) -> (i32, i32, i32) {
    %c0_i32 = arith.constant 0 : i32
    %c0_i32_0 = arith.constant 0 : i32
    return %arg0, %c0_i32, %arg1 : i32, i32, i32
  }
  func.func @transform_5(%arg0: i32, %arg1: i32) -> (i32, i32, i32) {
    %mul3A = arith.constant 4 : i32
    %mul3A_0 = arith.muli %arg0, %mul3A : i32
    %add3A = arith.addi %mul3A_0, %arg1 : i32
    %c0_i32 = arith.constant 0 : i32
    %c0_i32_1 = arith.constant 0 : i32
    %c0_i32_2 = arith.constant 0 : i32
    return %add3A, %c0_i32, %c0_i32_1 : i32, i32, i32
  }
}

</mosaic_0001>

<sc_bundles>
// kernel: kernel.4.cloned.1.call-start
scs
__scs_entry_jumppad:
0x0: {  	(pc) =	sbr.rel $0x88, $3  }
0x1: {  	(tag) =	ssettag $0x0;
	lr =	simm.s32 $0x1  }
0x2: {  	[smem:$0x3F9D] =	sst lr;
	_ =	strace $0xD0000000  }
0x3: {  	_ = 	snop  }
0x4: {  	_ = 	snop  }
0x5: {  	_ = 	snop  }
0x6: {  	_ = 	snop  }
0x7: {  	_ = 	snop  }
__scs_overlays_trampoline_lowered:
0x8: {  	[smem:$0x3FAC] =	sst s0  }
0x9: {  	[smem:$0x3FAD] =	sst s1  }
0xa: {  	[smem:$0x3FAE] =	sst s2  }
0xb: {  	[smem:$0x3FAF] =	sst s3  }
0xc: {  	[smem:$0x3FB0] =	sst s4  }
0xd: {  	[smem:$0x3FB1] =	sst s5  }
0xe: {  	[smem:$0x3FB2] =	sst s6  }
0xf: {  	[smem:$0x3FB3] =	sst s7  }
0x10: {  	[smem:$0x3FB4] =	sst s8  }
0x11: {  	[smem:$0x3FB5] =	sst s9;
	s0 =	simm.s32 @!p0 $0x0  }
0x12: {  	s1 =	sld [smem:$0x3F9B];
	s0 =	simm.s32 @p0 $0x1  }
0x13: {  	[smem:$0x3FB6] =	sst s0;
	s0 =	simm.s32 @!p1 $0x0  }
0x14: {  	s2 =	sld [smem:$0x3F9A];
	s0 =	simm.s32 @p1 $0x1  }
0x15: {  	[smem:$0x3FB7] =	sst s0;
	s0 =	simm.s32 @!p2 $0x0  }
0x16: {  	s3 =	sld [smem:$0x3FDB];
	s0 =	simm.s32 @p2 $0x1  }
0x17: {  	s4 =	simm.s32 $0x1BF5;
	[smem:$0x3FB9] =	sst s0  }
0x18: {  	s0 =	sld [smem:$0x3F9C];
	_ =	swait.ge [sflag:s4], $0x0  }
0x19: {  	s7 =	sld [smem:$0x3F9D]  }
0x1a: {  	s8 =	sadd.s32 $0xFFFFE003, lr  }
0x1b: {  	s9 =	sadd.s32 $0xFFFFFEF7, lr;
	s5 =	simm.s32 $0xFFFFFFFF;
	p2 =	slt.u32 s8, $0xFFFFF086  }
0x1c: {  	p1 =	slt.u32 s9, $0xF7A;
	s5 =	simm.s32 @!p2 $0x0  }
0x1d: {  	s5 =	simm.s32 @p1 $0x1;
	p0 =	seq.s32 s7, s2  }
0x1e: {  	s7 =	smul.u32 @!p0 $0xF7A, s2;
	p2 =	seq.s32 @!p0 s5, $0x0  }
0x1f: {  	s9 =	smul.u32 $0xF7A, s1;
	s8 =	simm.s32 @!p0 $0x1BF5;
	p2 =	por !p2, p0  }
0x20: {  	[sflag:s8] =	ssyncset.s32 @!p0 $0xFFFFF086;
	s6 =	sadd.s32 @!p0 s3, s7;
	s7 =	simm.s32 @!p0 $0x108  }
0x21: {  	s3 =	sadd.s32 s3, s9;
	s6 =	sadd.s32 @!p0 $0x88, s6;
	s7 =	simm.s32 @p2 $0x1082  }
0x22: {  	[simem:s7], [sflag:s8] =	dma.local @!p0 [hbm:s6], $0xF7A  }
0x23: {  	s9 =	sor.u32 $0xD0000000, s2;
	s6 =	simm.s32 $0x108;
	_ =	swait.ge @!p0 [sflag:s8], $0x0  }
0x24: {  	s3 =	sadd.s32 $0x88, s3;
	s6 =	simm.s32 @!p1 $0x1082;
	[sflag:s4] =	ssyncset.s32 $0xFFFFF086  }
0x25: {  	[simem:s6], [sflag:s4] =	dma.local [hbm:s3], $0xF7A  }
0x26: {  	[smem:$0x3F9D] =	sst s1;
	(tag) =	ssettag s2;
	_ =	strace s9  }
0x27: {  	s1 =	sld [smem:$0x3FAD]  }
0x28: {  	s2 =	sld [smem:$0x3FAE]  }
0x29: {  	s4 =	sld [smem:$0x3FB0]  }
0x2a: {  	p0 =	seq.s32 s5, $0x0;
	s5 =	sld [smem:$0x3FB1]  }
0x2b: {  	s6 =	sld [smem:$0x3FB2]  }
0x2c: {  	s7 =	sld [smem:$0x3FB3]  }
0x2d: {  	s3 =	simm.s32 $0x108;
	s8 =	sld [smem:$0x3FB4]  }
0x2e: {  	s3 =	simm.s32 @!p0 $0x1082;
	s9 =	sld [smem:$0x3FB5]  }
0x2f: {  	lr =	sadd.s32 s0, s3;
	s0 =	sld [smem:$0x3FAC]  }
0x30: {  	s3 =	sld [smem:$0x3FAF]  }
0x31: {  	[smem:$0x3FB8] =	sst s10  }
0x32: {  	s10 =	sld [smem:$0x3FB6];
	_ =	sdelay $0x3  }
0x33: {  	p0 =	seq.s32 s10, $0x1;
	s10 =	sld [smem:$0x3FB8];
	_ =	sdelay $0x3  }
0x34: {  	[smem:$0x3FB8] =	sst s10  }
0x35: {  	s10 =	sld [smem:$0x3FB7];
	_ =	sdelay $0x3  }
0x36: {  	p1 =	seq.s32 s10, $0x1;
	s10 =	sld [smem:$0x3FB8];
	_ =	sdelay $0x3  }
0x37: {  	[smem:$0x3FB8] =	sst s10  }
0x38: {  	s10 =	sld [smem:$0x3FB9]  }
0x39: {  	_ = 	snop;
	(pc) =	sbr.ind lr, $3  }
0x3a: {  	_ = 	snop  }
0x3b: {  	_ = 	snop  }
0x3c: {  	p2 =	seq.s32 s10, $0x1;
	s10 =	sld [smem:$0x3FB8]  }
0x3d: {  	_ =	shalt  }
0x3e: {  	_ =	shalt  }
0x3f: {  	_ =	shalt  }
0x40: {  	_ =	shalt  }
0x41: {  	_ =	shalt  }
0x42: {  	_ =	shalt  }
0x43: {  	_ =	shalt  }
0x44: {  	_ =	shalt  }
0x45: {  	_ =	shalt  }
0x46: {  	_ =	shalt  }
0x47: {  	_ =	shalt  }
0x48: {  	_ =	shalt  }
0x49: {  	_ =	shalt  }
0x4a: {  	_ =	shalt  }
0x4b: {  	_ =	shalt  }
0x4c: {  	_ =	shalt  }
0x4d: {  	_ =	shalt  }
0x4e: {  	_ =	shalt  }
0x4f: {  	_ =	shalt  }
0x50: {  	_ =	shalt  }
0x51: {  	_ =	shalt  }
0x52: {  	_ =	shalt  }
0x53: {  	_ =	shalt  }
0x54: {  	_ =	shalt  }
0x55: {  	_ =	shalt  }
0x56: {  	_ =	shalt  }
0x57: {  	_ =	shalt  }
0x58: {  	_ =	shalt  }
0x59: {  	_ =	shalt  }
0x5a: {  	_ =	shalt  }
0x5b: {  	_ =	shalt  }
0x5c: {  	_ =	shalt  }
0x5d: {  	_ =	shalt  }
0x5e: {  	_ =	shalt  }
0x5f: {  	_ =	shalt  }
0x60: {  	_ =	shalt  }
0x61: {  	_ =	shalt  }
0x62: {  	_ =	shalt  }
0x63: {  	_ =	shalt  }
0x64: {  	_ =	shalt  }
0x65: {  	_ =	shalt  }
0x66: {  	_ =	shalt  }
0x67: {  	_ =	shalt  }
0x68: {  	_ =	shalt  }
0x69: {  	_ =	shalt  }
0x6a: {  	_ =	shalt  }
0x6b: {  	_ =	shalt  }
0x6c: {  	_ =	shalt  }
0x6d: {  	_ =	shalt  }
0x6e: {  	_ =	shalt  }
0x6f: {  	_ =	shalt  }
0x70: {  	_ =	shalt  }
0x71: {  	_ =	shalt  }
0x72: {  	_ =	shalt  }
0x73: {  	_ =	shalt  }
0x74: {  	_ =	shalt  }
0x75: {  	_ =	shalt  }
0x76: {  	_ =	shalt  }
0x77: {  	_ =	shalt  }
0x78: {  	_ =	shalt  }
0x79: {  	_ =	shalt  }
0x7a: {  	_ =	shalt  }
0x7b: {  	_ =	shalt  }
0x7c: {  	_ =	shalt  }
0x7d: {  	_ =	shalt  }
0x7e: {  	_ =	shalt  }
0x7f: {  	_ =	shalt  }
0x80: {  	_ =	shalt  }
0x81: {  	_ =	shalt  }
0x82: {  	_ =	shalt  }
0x83: {  	_ =	shalt  }
0x84: {  	_ =	shalt  }
0x85: {  	_ =	shalt  }
0x86: {  	_ =	shalt  }
0x87: {  	_ =	shalt  }
.Lfunc_end0:
.L_simem_size_0:
called_computation_lowered:
.L_overlay_start_0:
0x88: {  	s2 =	sld [smem:$0x3FD9]  }
0x89: {  	s3 =	sld [smem:$0x3FFE];
	_ =	sdelay $0x1  }
0x8a: {  	s1 =	srdreg.scid  }
0x8b: {  	s0 =	sand.u32 $0x1, s1  }
0x8c: {  	s14 =	sshll.u32 s0, $0xA;
	s2 =	sadd.s32 s3, s2  }
0x8d: {  	s2 =	sadd.s32 s2, s14  }
0x8e: {  	[smem:$0x3FC4] =	sst s2  }
0x8f: {  	_ = 	snop  }
0x90: {  	s2 =	sld [smem:$0x3FD0];
	_ =	sdelay $0x2  }
0x91: {  	s15 =	simm.s32 $0xA;
	s4 =	simm.s32 $0x10  }
0x92: {  	[smem:s4], [sflag:s15] =	dma.local [hbm:s2], $0x1  }
0x93: {  	_ =	swait.eq [sflag:s15], $0x1  }
0x94: {  	[sflag:s15] =	ssyncset.done $0x0  }
0x95: {  	[sflag:s15] =	ssyncadd.s32 $0xFFFFFFFF  }
0x96: {  	s16 =	sld [smem:$0x12];
	(tm) =	ssettm $0x1  }
0x97: {  	s17 =	sld [smem:$0x3FFB];
	_ =	sdelay $0x3  }
0x98: {  	_ =	strace s17  }
0x99: {  	s3 =	sld [smem:$0x3FFC];
	_ =	sdelay $0x3  }
0x9a: {  	_ =	strace s3  }
0x9b: {  	s3 =	sld [smem:$0x3FFD];
	_ =	sdelay $0x3  }
0x9c: {  	_ =	strace s3  }
0x9d: {  	_ =	strace $0x8FFFFFFF  }
0x9e: {  	s18 =	sld [smem:$0x3FDB];
	_ =	sdelay $0x1  }
0x9f: {  	s19 =	simm.s32 $_scs_section_size  }
0xa0: {  	s5 =	simm.s32 $_size__tile_overlayer_lowered;
	s6 =	simm.s32 $_tile_overlayer_lowered  }
0xa1: {  	s22 =	simm.s32 $0x1BFF;
	s21 =	sshll.u32 s6, $0x1;
	s3 =	sadd.s32 s19, s18  }
0xa2: {  	s7 =	simm.s32 $0x0;
	s20 =	sshll.u32 s5, $0x1;
	s5 =	sadd.s32 s21, s3  }
0xa3: {  	[timem:s7], [sflag:s22] =	dma.local [hbm:s5], s20  }
0xa4: {  	_ =	swait.ge [sflag:s22], s20  }
0xa5: {  	s4 =	ssub.s32 $0x0, s20;
	[sflag:s22] =	ssyncset.done $0x0  }
0xa6: {  	[sflag:s22] =	ssyncadd.s32 s4;
	_ =	sdelay $0x1  }
0xa7: {  	s23 =	simm.s32 $0x1B8B  }
0xa8: {  	_ =	swait.ge [sflag:s23], $0x1  }
0xa9: {  	[sflag:s23] =	ssyncset.done $0x0  }
0xaa: {  	s25 =	simm.s32 $0x1B8E;
	s24 =	sld [smem:$0x3FFE];
	[sflag:s23] =	ssyncadd.s32 $0xFFFFFFFF  }
0xab: {  	s26 =	simm.s32 $execute0_lowered;
	[smem:$0x3FD2] =	sst s25  }
0xac: {  	s5 =	sshll.u32 s26, $0x1;
	_ =	strace $0x80000046;
	[dreg:$0x1] =	wrdreg $0xFFFFFFFF  }
0xad: {  	s28 =	simm.s32 $_size_execute0_lowered;
	s3 =	sadd.s32 s3, s5;
	[dreg:$0x0] =	wrdreg $0x0  }
0xae: {  	s5 =	sshll.u32 s28, $0x1;
	[dreg:$0x2] =	wrdreg s3  }
0xaf: {  	[dreg:$0x3] =	wrdreg s5  }
0xb0: {  	[dreg:$0x4] =	wrdreg $0xC0  }
0xb1: {  	_ =	task [dreg:s7], $0x5FFFF  }
0xb2: {  	[dreg:$0x1] =	wrdreg $0xFFFFFFFF  }
0xb3: {  	[dreg:$0x0] =	wrdreg $0x60  }
0xb4: {  	[dreg:$0x2] =	wrdreg s24  }
0xb5: {  	[dreg:$0x3] =	wrdreg s16  }
0xb6: {  	[dreg:$0x4] =	wrdreg $0x9  }
0xb7: {  	_ =	task.clear_ibuf [dreg:s7], $0x5FFFF;
	_ =	strace $0x90000046  }
0xb8: {  	s29 =	simm.s32 $0x9;
	_ =	strace $0x80000048  }
0xb9: {  	_ =	swait.ge [sflag:s29], $0x1  }
0xba: {  	[sflag:s29] =	ssyncadd.s32 $0xFFFFFFFF  }
0xbb: {  	_ =	strace $0x90000048  }
0xbc: {  	_ =	sfence  }
0xbd: {  	s30 =	sld [smem:$0x0];
	_ =	sdelay $0x2  }
0xbe: {  	s31 =	sshll.u32 s1, $0xD;
	s1 =	sshrl.u32 s1, $0x2  }
0xbf: {  	s3 =	sand.u32 $0x4000, s31;
	s1 =	sadd.s32 s1, s30  }
0xc0: {  	s0 =	sor.u32 s3, s0;
	s1 =	sshll.u32 s1, $0x11  }
0xc1: {  	s0 =	sor.u32 s1, s0  }
0xc2: {  	s0 =	sadd.s32 $0x8F2B, s0  }
0xc3: {  	[sflag:s0] =	ssyncadd.remote.s32 $0x1  }
0xc4: {  	_ =	sfence.sel $0xFFFF  }
0xc5: {  	[dreg:$0x0] =	wrdreg $0xFFFFFFFF;
	(pc) =	sbr.abs _section_cstart, $3  }
0xc6: {  	[dreg:$0x1] =	wrdreg $0xFFFFFFFF  }
0xc7: {  	_ =	task.clear_ibuf [dreg:s7], $0x2FFFF;
	_ =	strace $0x9FFFFFFF  }
0xc8: {  	(tm) =	ssettm $0x7FFFFFFF  }
0xc9: {  	_ =	shalt  }
tec
execute0_lowered:
.L_overlay_start_1:
0x0: {  	(tag) =	ssettag $0x1  }
0x1: {  	s3 =	rddreg [dreg:$0x0]  }
0x2: {  	s4 =	rddreg [dreg:$0x1]  }
0x3: {  	s0 =	rddreg [dreg:$0x2]  }
0x4: {  	s5 =	srdreg.scid;
	s1 =	stileid.u32  }
0x5: {  	s2 =	simm.s32 $0x0;
	s5 =	sand.u32 $0x1, s5;
	s6 =	sshll.u32 s1, $0x1  }
0x6: {  	s10 =	simm.s32 $0x0;
	[smem:$0x7FF] =	sst s2;
	s6 =	sor.u32 s5, s6  }
0x7: {  	_ =	strace $0x80000047;
	s5 =	ssub.s32 $0x2, s5;
	s7 =	sshll.u32 s6, $0x9  }
0x8: {  	s6 =	sshll.u32 s6, $0x6;
	s31 =	sshrl.u32 s5, $0x1;
	s7 =	sadd.s32 s7, s3  }
0x9: {  	s8 =	sadd.s32 s6, s3;
	s9 =	ssub.s32 s5, s31;
	s4 =	sadd.s32 s4, s6  }
0xa: {  	s3 =	sadd.s32 $0xC00, s7;
	s5 =	sadd.s32 $0x4C00, s8;
	s6 =	smax.u32 s9, $0x1  }
0xb: {  	v0 =	vimm.s32 $0x0;
	s7 =	simm.s32 $0x1;
	s8 =	simm.s32 $0x1000;
	s9 =	simm.s32 $0x1200  }
.LBB2_1:
0xc: {  	[tilespmem:s2], [sflag:$0x1] =	stream.linear.gather [hbm4b:s3+s2], $0x1000, $0x38;
	[tilespmem:$0x1400] =	vst v63  }
0xd: {  	_ =	swait.ge [sflag:s7], $0x1000  }
0xe: {  	[sflag:s7] =	ssyncset.done $0x0  }
0xf: {  	s11 =	simm.s32 $0x800;
	s12 =	simm.s32 $0x0;
	[sflag:s7] =	ssyncadd.s32 $0xFFFFF000  }
.LBB2_2:
0x10: {  	v1 =	vld [tilespmem:s11+$0xFFFFF800]  }
0x11: {  	v2 =	vld [tilespmem:s11+$0xFFFFF880]  }
0x12: {  	v3 =	vld [tilespmem:s11+$0xFFFFF900]  }
0x13: {  	v6 =	vld [tilespmem:s11+$0xFFFFF980];
	_ =	sdelay $0x2  }
0x14: {  	vm0 =	vgt.f32 v1, $-Inf  }
0x15: {  	vm6 =	vlt.f32 v2, $-Inf;
	vm1 =	vgt.f32 v2, $-Inf;
	vm8 =	vlt.f32 v3, $-Inf  }
0x16: {  	vm9 =	vgt.f32 v3, $-Inf;
	vm14 =	vlt.f32 v6, $-Inf;
	v1 =	vnsel vm0, $0xFF800000, v1  }
0x17: {  	vm4 =	vgt.f32 v6, $-Inf;
	vm0 =	vmor vm1, vm6;
	vm2 =	vgt.f32 v2, v1  }
0x18: {  	vm7 =	vmneg vm2;
	v4 =	vsel vm2, v2, v1;
	v2 =	vnsel vm0, $0xFF800000, v2  }
0x19: {  	v1 =	vsel vm2, v1, v2;
	v2 =	vsel vm2, $0x1, v0;
	vm0 =	vmand vm0, vm7  }
0x1a: {  	vm10 =	vgt.f32 v3, v4;
	v5 =	vsel vm0, $0x1, v0;
	vm3 =	vgt.f32 v3, v1  }
0x1b: {  	v10 =	vld [tilespmem:s11+$0xFFFFFA00];
	vm0 =	vmor vm9, vm8;
	v7 =	vsel vm10, v3, v4;
	v25 =	vsel vm10, $0x2, v2  }
0x1c: {  	v8 =	vsel vm3, v3, v1;
	v3 =	vnsel vm0, $0xFF800000, v3;
	vm11 =	vgt.f32 v6, v7  }
0x1d: {  	v4 =	vsel vm10, v4, v8;
	v1 =	vsel vm3, v1, v3;
	v3 =	vsel vm3, $0x2, v5  }
0x1e: {  	v26 =	vsel vm11, v6, v7;
	v28 =	vsel vm11, $0x3, v25;
	v2 =	vsel vm10, v2, v3  }
0x1f: {  	v32 =	vld [tilespmem:s11+$0xFFFFFA80];
	v3 =	vsel vm0, $0x2, v0;
	vm12 =	vgt.f32 v6, v4;
	vm13 =	vgt.f32 v6, v1  }
0x20: {  	vm15 =	vgt.f32 v10, v26;
	v3 =	vsel vm3, v5, v3;
	vm3 =	vmor vm4, vm14  }
0x21: {  	v9 =	vsel vm12, v6, v4;
	v27 =	vsel vm13, v6, v1;
	v29 =	vsel vm12, $0x3, v2  }
0x22: {  	v30 =	vsel vm15, v10, v26;
	v34 =	vsel vm15, $0x4, v28;
	v7 =	vsel vm11, v7, v9  }
0x23: {  	v6 =	vnsel vm3, $0xFF800000, v6;
	v4 =	vsel vm12, v4, v27;
	v11 =	vsel vm13, $0x3, v3  }
0x24: {  	v12 =	vsel vm3, $0x3, v0;
	v8 =	vsel vm11, v25, v29;
	vm9 =	vgt.f32 v32, v30  }
0x25: {  	v1 =	vsel vm13, v1, v6;
	v2 =	vsel vm12, v2, v11;
	v3 =	vsel vm13, v3, v12  }
0x26: {  	vm6 =	vgt.f32 v10, v7;
	vm7 =	vgt.f32 v10, v4;
	v40 =	vsel vm9, $0x5, v34  }
0x27: {  	vm8 =	vgt.f32 v10, v1;
	v31 =	vsel vm6, v10, v7;
	v33 =	vsel vm7, v10, v4  }
0x28: {  	v35 =	vsel vm6, $0x4, v8;
	v36 =	vsel vm7, $0x4, v2;
	v5 =	vsel vm15, v26, v31  }
0x29: {  	v38 =	vld [tilespmem:s11+$0xFFFFFB00];
	v1 =	vsel vm8, v10, v1;
	v7 =	vsel vm6, v7, v33;
	v3 =	vsel vm8, $0x4, v3  }
0x2a: {  	v6 =	vsel vm15, v28, v35;
	v8 =	vsel vm6, v8, v36;
	v1 =	vsel vm7, v4, v1  }
0x2b: {  	v2 =	vsel vm7, v2, v3;
	vm10 =	vgt.f32 v32, v5;
	vm11 =	vgt.f32 v32, v7  }
0x2c: {  	v3 =	vsel vm9, v32, v30;
	vm12 =	vgt.f32 v32, v1;
	v37 =	vsel vm10, v32, v5  }
0x2d: {  	v45 =	vld [tilespmem:s11+$0xFFFFFB80];
	v39 =	vsel vm11, v32, v7;
	v41 =	vsel vm10, $0x5, v6;
	v42 =	vsel vm11, $0x5, v8  }
0x2e: {  	vm13 =	vgt.f32 v38, v3;
	v9 =	vsel vm9, v30, v37;
	v1 =	vsel vm12, v32, v1  }
0x2f: {  	v5 =	vsel vm10, v5, v39;
	v2 =	vsel vm12, $0x5, v2;
	v4 =	vsel vm9, v34, v41  }
0x30: {  	v6 =	vsel vm10, v6, v42;
	v43 =	vsel vm13, v38, v3;
	v47 =	vsel vm13, $0x6, v40  }
0x31: {  	v1 =	vsel vm11, v7, v1;
	v2 =	vsel vm11, v8, v2;
	vm14 =	vgt.f32 v38, v9  }
0x32: {  	v52 =	vld [tilespmem:s11+$0xFFFFFC00];
	vm15 =	vgt.f32 v38, v5;
	vm7 =	vgt.f32 v45, v43;
	vm6 =	vgt.f32 v38, v1  }
0x33: {  	v44 =	vsel vm14, v38, v9;
	v46 =	vsel vm15, v38, v5;
	v48 =	vsel vm14, $0x6, v4  }
0x34: {  	v49 =	vsel vm15, $0x6, v6;
	v50 =	vsel vm7, v45, v43;
	v54 =	vsel vm7, $0x7, v47  }
0x35: {  	v59 =	vld [tilespmem:s11+$0xFFFFFC80];
	v3 =	vsel vm13, v3, v44;
	v1 =	vsel vm6, v38, v1;
	v9 =	vsel vm14, v9, v46  }
0x36: {  	v2 =	vsel vm6, $0x6, v2;
	v7 =	vsel vm13, v40, v48;
	v4 =	vsel vm14, v4, v49  }
0x37: {  	vm11 =	vgt.f32 v52, v50;
	v1 =	vsel vm15, v5, v1;
	v2 =	vsel vm15, v6, v2  }
0x38: {  	vm8 =	vgt.f32 v45, v3;
	vm9 =	vgt.f32 v45, v9;
	v57 =	vsel vm11, v52, v50  }
0x39: {  	v17 =	vld [tilespmem:s11+$0xFFFFFD00];
	vm10 =	vgt.f32 v45, v1;
	v51 =	vsel vm8, v45, v3;
	v53 =	vsel vm9, v45, v9  }
0x3a: {  	v55 =	vsel vm8, $0x7, v7;
	v56 =	vsel vm9, $0x7, v4;
	vm15 =	vgt.f32 v59, v57  }
0x3b: {  	v8 =	vsel vm7, v43, v51;
	v1 =	vsel vm10, v45, v1;
	v3 =	vsel vm8, v3, v53  }
0x3c: {  	v2 =	vsel vm10, $0x7, v2;
	v5 =	vsel vm7, v47, v55;
	v7 =	vsel vm8, v7, v56  }
0x3d: {  	v63 =	vsel vm15, v59, v57;
	v1 =	vsel vm9, v9, v1;
	v2 =	vsel vm9, v4, v2  }
0x3e: {  	vm12 =	vgt.f32 v52, v8;
	vm13 =	vgt.f32 v52, v3;
	vm9 =	vgt.f32 v17, v63  }
0x3f: {  	v24 =	vld [tilespmem:s11+$0xFFFFFD80];
	vm14 =	vgt.f32 v52, v1;
	v58 =	vsel vm12, v52, v8;
	v60 =	vsel vm13, v52, v3  }
0x40: {  	v61 =	vsel vm12, $0x8, v5;
	v62 =	vsel vm13, $0x8, v7;
	v22 =	vsel vm9, v17, v63  }
0x41: {  	v6 =	vsel vm11, v50, v58;
	v1 =	vsel vm14, v52, v1;
	v8 =	vsel vm12, v8, v60  }
0x42: {  	v2 =	vsel vm14, $0x8, v2;
	v9 =	vsel vm11, v54, v61;
	v5 =	vsel vm12, v5, v62  }
0x43: {  	v1 =	vsel vm13, v3, v1;
	v3 =	vsel vm11, $0x8, v54;
	v2 =	vsel vm13, v7, v2  }
0x44: {  	vm6 =	vgt.f32 v59, v6;
	vm7 =	vgt.f32 v59, v8;
	vm13 =	vgt.f32 v24, v22  }
0x45: {  	vm8 =	vgt.f32 v59, v1;
	v16 =	vsel vm6, v59, v6;
	v18 =	vsel vm7, v59, v8  }
0x46: {  	v31 =	vld [tilespmem:s11+$0xFFFFFE00];
	v19 =	vsel vm15, $0x9, v3;
	v20 =	vsel vm6, $0x9, v9;
	v21 =	vsel vm7, $0x9, v5  }
0x47: {  	v29 =	vsel vm13, v24, v22;
	v4 =	vsel vm15, v57, v16;
	v1 =	vsel vm8, v59, v1  }
0x48: {  	v6 =	vsel vm6, v6, v18;
	v2 =	vsel vm8, $0x9, v2;
	v3 =	vsel vm15, v3, v20  }
0x49: {  	v9 =	vsel vm6, v9, v21;
	v26 =	vsel vm9, $0xA, v19;
	v1 =	vsel vm7, v8, v1  }
0x4a: {  	v2 =	vsel vm7, v5, v2;
	vm10 =	vgt.f32 v17, v4;
	vm11 =	vgt.f32 v17, v6  }
0x4b: {  	v33 =	vsel vm13, $0xB, v26;
	vm7 =	vgt.f32 v31, v29;
	vm12 =	vgt.f32 v17, v1  }
0x4c: {  	v23 =	vsel vm10, v17, v4;
	v25 =	vsel vm11, v17, v6;
	v27 =	vsel vm10, $0xA, v3  }
0x4d: {  	v28 =	vsel vm11, $0xA, v9;
	v39 =	vsel vm7, $0xC, v33;
	v7 =	vsel vm9, v63, v23  }
0x4e: {  	v1 =	vsel vm12, v17, v1;
	v4 =	vsel vm10, v4, v25;
	v2 =	vsel vm12, $0xA, v2  }
0x4f: {  	v8 =	vsel vm9, v19, v27;
	v3 =	vsel vm10, v3, v28;
	v1 =	vsel vm11, v6, v1  }
0x50: {  	v2 =	vsel vm11, v9, v2;
	vm14 =	vgt.f32 v24, v7;
	vm15 =	vgt.f32 v24, v4  }
0x51: {  	vm6 =	vgt.f32 v24, v1;
	v30 =	vsel vm14, v24, v7;
	v32 =	vsel vm15, v24, v4  }
0x52: {  	v34 =	vsel vm14, $0xB, v8;
	v35 =	vsel vm15, $0xB, v3;
	v5 =	vsel vm13, v22, v30  }
0x53: {  	v37 =	vld [tilespmem:s11+$0xFFFFFE80];
	v1 =	vsel vm6, v24, v1;
	v7 =	vsel vm14, v7, v32;
	v2 =	vsel vm6, $0xB, v2  }
0x54: {  	v6 =	vsel vm13, v26, v34;
	v8 =	vsel vm14, v8, v35;
	v1 =	vsel vm15, v4, v1  }
0x55: {  	v2 =	vsel vm15, v3, v2;
	vm8 =	vgt.f32 v31, v5;
	vm9 =	vgt.f32 v31, v7  }
0x56: {  	v3 =	vsel vm7, v31, v29;
	vm10 =	vgt.f32 v31, v1;
	v36 =	vsel vm8, v31, v5  }
0x57: {  	v38 =	vsel vm9, v31, v7;
	v40 =	vsel vm8, $0xC, v6;
	v41 =	vsel vm9, $0xC, v8  }
0x58: {  	v44 =	vld [tilespmem:s11+$0xFFFFFF00];
	vm11 =	vgt.f32 v37, v3;
	v9 =	vsel vm7, v29, v36;
	v1 =	vsel vm10, v31, v1  }
0x59: {  	v5 =	vsel vm8, v5, v38;
	v2 =	vsel vm10, $0xC, v2;
	v4 =	vsel vm7, v33, v40  }
0x5a: {  	v6 =	vsel vm8, v6, v41;
	v42 =	vsel vm11, v37, v3;
	v46 =	vsel vm11, $0xD, v39  }
0x5b: {  	v40 =	vimm.s32 $0x0;
	v41 =	vimm.s32 $0x0;
	v1 =	vsel vm9, v7, v1  }
0x5c: {  	v51 =	vld [tilespmem:s11+$0xFFFFFF80];
	v2 =	vsel vm9, v8, v2;
	vm12 =	vgt.f32 v37, v9;
	vm13 =	vgt.f32 v37, v5  }
0x5d: {  	vm15 =	vgt.f32 v44, v42;
	vm14 =	vgt.f32 v37, v1;
	v43 =	vsel vm12, v37, v9  }
0x5e: {  	v45 =	vsel vm13, v37, v5;
	v47 =	vsel vm12, $0xD, v4;
	v48 =	vsel vm13, $0xD, v6  }
0x5f: {  	v49 =	vsel vm15, v44, v42;
	v53 =	vsel vm15, $0xE, v46;
	v3 =	vsel vm11, v3, v43  }
0x60: {  	v1 =	vsel vm14, v37, v1;
	v9 =	vsel vm12, v9, v45;
	v2 =	vsel vm14, $0xD, v2  }
0x61: {  	v58 =	vld [tilespmem:s11+$0x0];
	v7 =	vsel vm11, v39, v47;
	v4 =	vsel vm12, v4, v48;
	vm9 =	vgt.f32 v51, v49  }
0x62: {  	v47 =	vimm.s32 $0x0;
	v48 =	vimm.s32 $0x0;
	v1 =	vsel vm13, v5, v1  }
0x63: {  	v2 =	vsel vm13, v6, v2;
	vm6 =	vgt.f32 v44, v3;
	vm7 =	vgt.f32 v44, v9  }
0x64: {  	v56 =	vsel vm9, v51, v49;
	vm8 =	vgt.f32 v44, v1;
	v50 =	vsel vm6, v44, v3  }
0x65: {  	v52 =	vsel vm7, v44, v9;
	v54 =	vsel vm6, $0xE, v7;
	v55 =	vsel vm7, $0xE, v4  }
0x66: {  	v16 =	vld [tilespmem:s11+$0x80];
	vm13 =	vgt.f32 v58, v56;
	v8 =	vsel vm15, v42, v50;
	v1 =	vsel vm8, v44, v1  }
0x67: {  	v3 =	vsel vm6, v3, v52;
	v2 =	vsel vm8, $0xE, v2;
	v5 =	vsel vm15, v46, v54  }
0x68: {  	v7 =	vsel vm6, v7, v55;
	v62 =	vsel vm13, v58, v56;
	v44 =	vimm.s32 $0x0  }
0x69: {  	v50 =	vimm.s32 $0x0;
	v54 =	vimm.s32 $0x0;
	v55 =	vimm.s32 $0x0  }
0x6a: {  	v1 =	vsel vm7, v9, v1;
	v2 =	vsel vm7, v4, v2;
	vm10 =	vgt.f32 v51, v8  }
0x6b: {  	vm11 =	vgt.f32 v51, v3;
	vm7 =	vgt.f32 v16, v62;
	vm12 =	vgt.f32 v51, v1  }
0x6c: {  	v57 =	vsel vm10, v51, v8;
	v59 =	vsel vm11, v51, v3;
	v60 =	vsel vm10, $0xF, v5  }
0x6d: {  	v23 =	vld [tilespmem:s11+$0x100];
	v61 =	vsel vm11, $0xF, v7;
	v21 =	vsel vm7, v16, v62;
	v6 =	vsel vm9, v49, v57  }
0x6e: {  	v1 =	vsel vm12, v51, v1;
	v8 =	vsel vm10, v8, v59;
	v2 =	vsel vm12, $0xF, v2  }
0x6f: {  	v9 =	vsel vm9, v53, v60;
	v5 =	vsel vm10, v5, v61;
	v49 =	vimm.s32 $0x0  }
0x70: {  	v57 =	vimm.s32 $0x0;
	v60 =	vimm.s32 $0x0;
	v1 =	vsel vm11, v3, v1  }
0x71: {  	v3 =	vsel vm9, $0xF, v53;
	v2 =	vsel vm11, v7, v2;
	vm14 =	vgt.f32 v58, v6  }
0x72: {  	vm15 =	vgt.f32 v58, v8;
	vm11 =	vgt.f32 v23, v21;
	v53 =	vimm.s32 $0x0  }
0x73: {  	vm6 =	vgt.f32 v58, v1;
	v63 =	vsel vm14, v58, v6;
	v17 =	vsel vm15, v58, v8  }
0x74: {  	v18 =	vsel vm13, $0x10, v3;
	v19 =	vsel vm14, $0x10, v9;
	v20 =	vsel vm15, $0x10, v5  }
0x75: {  	v30 =	vld [tilespmem:s11+$0x180];
	v28 =	vsel vm11, v23, v21;
	v4 =	vsel vm13, v56, v63;
	v1 =	vsel vm6, v58, v1  }
0x76: {  	v6 =	vsel vm14, v6, v17;
	v2 =	vsel vm6, $0x10, v2;
	v3 =	vsel vm13, v3, v19  }
0x77: {  	v9 =	vsel vm14, v9, v20;
	v25 =	vsel vm7, $0x11, v18;
	v63 =	vimm.s32 $0x0  }
0x78: {  	v17 =	vimm.s32 $0x0;
	v19 =	vimm.s32 $0x0;
	v1 =	vsel vm15, v8, v1  }
0x79: {  	v2 =	vsel vm15, v5, v2;
	vm8 =	vgt.f32 v16, v4;
	vm9 =	vgt.f32 v16, v6  }
0x7a: {  	v32 =	vsel vm11, $0x12, v25;
	vm15 =	vgt.f32 v30, v28;
	vm10 =	vgt.f32 v16, v1  }
0x7b: {  	v22 =	vsel vm8, v16, v4;
	v24 =	vsel vm9, v16, v6;
	v26 =	vsel vm8, $0x11, v3  }
0x7c: {  	v36 =	vld [tilespmem:s11+$0x200];
	v27 =	vsel vm9, $0x11, v9;
	v35 =	vsel vm15, v30, v28;
	v7 =	vsel vm7, v62, v22  }
0x7d: {  	v1 =	vsel vm10, v16, v1;
	v4 =	vsel vm8, v4, v24;
	v2 =	vsel vm10, $0x11, v2  }
0x7e: {  	v8 =	vsel vm7, v18, v26;
	v3 =	vsel vm8, v3, v27;
	v16 =	vimm.s32 $0x0  }
0x7f: {  	v22 =	vimm.s32 $0x0;
	v26 =	vimm.s32 $0x0;
	v27 =	vimm.s32 $0x0  }
0x80: {  	v1 =	vsel vm9, v6, v1;
	v2 =	vsel vm9, v9, v2;
	vm12 =	vgt.f32 v23, v7  }
0x81: {  	vm13 =	vgt.f32 v23, v4;
	vm9 =	vgt.f32 v36, v35;
	vm14 =	vgt.f32 v23, v1  }
0x82: {  	v29 =	vsel vm12, v23, v7;
	v31 =	vsel vm13, v23, v4;
	v33 =	vsel vm12, $0x12, v8  }
0x83: {  	v39 =	vld [tilespmem:s11+$0x280];
	v34 =	vsel vm13, $0x12, v3;
	v42 =	vsel vm9, v36, v35;
	v5 =	vsel vm11, v21, v29  }
0x84: {  	v1 =	vsel vm14, v23, v1;
	v7 =	vsel vm12, v7, v31;
	v2 =	vsel vm14, $0x12, v2  }
0x85: {  	v6 =	vsel vm11, v25, v33;
	v8 =	vsel vm12, v8, v34;
	v21 =	vimm.s32 $0x0  }
0x86: {  	v25 =	vimm.s32 $0x0;
	v31 =	vimm.s32 $0x0;
	v33 =	vimm.s32 $0x0  }
0x87: {  	v1 =	vsel vm13, v4, v1;
	v2 =	vsel vm13, v3, v2;
	vm6 =	vgt.f32 v30, v5  }
0x88: {  	vm7 =	vgt.f32 v30, v7;
	vm13 =	vgt.f32 v39, v42;
	vm8 =	vgt.f32 v30, v1  }
0x89: {  	v3 =	vsel vm6, v30, v5;
	v37 =	vsel vm7, $0x13, v8;
	v51 =	vsel vm13, v39, v42  }
0x8a: {  	v9 =	vsel vm15, v28, v3;
	v3 =	vsel vm7, v30, v7;
	v1 =	vsel vm8, v30, v1  }
0x8b: {  	v46 =	vld [tilespmem:s11+$0x300];
	v13 =	vsel vm8, $0x13, v2;
	v5 =	vsel vm6, v5, v3;
	v7 =	vsel vm7, v7, v1  }
0x8c: {  	v1 =	vsel vm15, $0x13, v32;
	v3 =	vsel vm6, $0x13, v6;
	v38 =	vsel vm7, v8, v13  }
0x8d: {  	v8 =	vsel vm9, $0xFFFFFFFF, v40;
	vm10 =	vgt.f32 v36, v9;
	v40 =	vimm.s32 $0x0  }
0x8e: {  	v2 =	vsel vm15, v32, v3;
	v3 =	vsel vm6, v6, v37;
	[tilespmem:$0x1FE10] =	vst v8;
	v8 =	vsel vm10, $0xFFFFFFFF, v41  }
0x8f: {  	vm11 =	vgt.f32 v36, v5;
	vm12 =	vgt.f32 v36, v7;
	v43 =	vsel vm10, v36, v9  }
0x90: {  	vm15 =	vgt.f32 v46, v51;
	v32 =	vimm.s32 $0x0;
	v37 =	vimm.s32 $0x0  }
0x91: {  	v10 =	vsel vm9, v35, v43;
	v12 =	vsel vm11, $0xFFFFFFFF, v44;
	v45 =	vsel vm11, v36, v5  }
0x92: {  	v7 =	vsel vm12, v36, v7;
	v4 =	vsel vm12, $0x14, v38;
	v9 =	vsel vm10, v9, v45  }
0x93: {  	[tilespmem:$0x1FDE0] =	vst v12;
	v5 =	vsel vm11, v5, v7;
	v7 =	vsel vm13, $0xFFFFFFFF, v47;
	vm1 =	vgt.f32 v39, v10  }
0x94: {  	v36 =	vimm.s32 $0x0;
	[tilespmem:$0x1FE30] =	vst v7;
	v7 =	vsel vm1, $0xFFFFFFFF, v48;
	vm2 =	vgt.f32 v39, v9  }
0x95: {  	vm3 =	vgt.f32 v39, v5;
	[tilespmem:$0x1FE40] =	vst v7;
	v7 =	vsel vm2, $0xFFFFFFFF, v49;
	v12 =	vsel vm2, v39, v9  }
0x96: {  	v52 =	vld [tilespmem:s11+$0x380];
	v5 =	vsel vm3, v39, v5;
	[tilespmem:$0x1FE20] =	vst v7;
	v7 =	vsel vm3, $0xFFFFFFFF, v50;
	v12 =	vsel vm1, v10, v12  }
0x97: {  	v10 =	vsel vm1, v39, v10;
	v5 =	vsel vm2, v9, v5;
	v39 =	vimm.s32 $0x0  }
0x98: {  	[tilespmem:$0x1FDF0] =	vst v8;
	v50 =	vimm.s32 $0x0;
	v8 =	vsel vm13, v42, v10;
	vm14 =	vgt.f32 v46, v12  }
0x99: {  	[tilespmem:$0x1FE00] =	vst v7;
	vm7 =	vgt.f32 v46, v5;
	v7 =	vsel vm15, v46, v51;
	v42 =	vimm.s32 $0x0  }
0x9a: {  	v9 =	vsel vm14, $0xFFFFFFFF, v53;
	vm6 =	vgt.f32 v46, v8;
	v56 =	vsel vm14, v46, v12  }
0x9b: {  	v10 =	vsel vm7, $0xFFFFFFFF, v57;
	v5 =	vsel vm7, v46, v5;
	vm10 =	vgt.f32 v52, v7  }
0x9c: {  	[tilespmem:$0x1FE80] =	vst v9;
	v9 =	vsel vm15, $0xFFFFFFFF, v54;
	v58 =	vsel vm6, v46, v8;
	v8 =	vsel vm6, v8, v56  }
0x9d: {  	[tilespmem:$0x1FE50] =	vst v10;
	v5 =	vsel vm14, v12, v5;
	v46 =	vimm.s32 $0x0;
	v54 =	vimm.s32 $0x0  }
0x9e: {  	[tilespmem:$0x1FE60] =	vst v9;
	v9 =	vsel vm6, $0xFFFFFFFF, v55;
	v10 =	vsel vm15, v51, v58;
	vm9 =	vgt.f32 v52, v8  }
0x9f: {  	v59 =	vld [tilespmem:s11+$0x400];
	vm0 =	vgt.f32 v52, v5;
	v58 =	vimm.s32 $0x0;
	vm8 =	vgt.f32 v52, v10  }
0xa0: {  	v62 =	vsel vm9, v52, v8;
	v13 =	vsel vm9, $0xFFFFFFFF, v63;
	v5 =	vsel vm0, v52, v5  }
0xa1: {  	v63 =	vimm.s32 $0x0;
	v11 =	vsel vm8, $0xFFFFFFFF, v60;
	v61 =	vsel vm8, v52, v10;
	[tilespmem:$0x1FEB0] =	vst v13  }
0xa2: {  	v13 =	vsel vm0, $0xFFFFFFFF, v16;
	v10 =	vsel vm8, v10, v62;
	v5 =	vsel vm9, v8, v5;
	[tilespmem:$0x1FEA0] =	vst v11  }
0xa3: {  	v18 =	vld [tilespmem:s11+$0x480];
	[tilespmem:$0x1FEC0] =	vst v13;
	v13 =	vsel vm10, $0xFFFFFFFF, v17;
	v11 =	vsel vm10, v7, v61;
	v7 =	vsel vm10, v52, v7  }
0xa4: {  	vm13 =	vgt.f32 v59, v10;
	vm14 =	vgt.f32 v59, v5;
	vm11 =	vgt.f32 v59, v11  }
0xa5: {  	vm12 =	vgt.f32 v59, v7;
	v23 =	vsel vm13, v59, v10;
	v5 =	vsel vm14, v59, v5  }
0xa6: {  	[tilespmem:$0x1FE90] =	vst v13;
	v6 =	vsel vm11, $0xFFFFFFFF, v19;
	v20 =	vsel vm11, v59, v11;
	v13 =	vsel vm12, $0xFFFFFFFF, v21  }
0xa7: {  	v8 =	vsel vm11, v11, v23;
	v5 =	vsel vm13, v10, v5;
	[tilespmem:$0x1FEE0] =	vst v13;
	v13 =	vsel vm13, $0xFFFFFFFF, v22  }
0xa8: {  	v24 =	vld [tilespmem:s11+$0x500];
	[tilespmem:$0x1FED0] =	vst v6;
	v6 =	vsel vm12, v7, v20;
	v7 =	vsel vm12, v59, v7;
	vm4 =	vgt.f32 v18, v8  }
0xa9: {  	vm2 =	vgt.f32 v18, v5;
	[tilespmem:$0x1FF00] =	vst v13;
	v13 =	vsel vm14, $0xFFFFFFFF, v25;
	vm15 =	vgt.f32 v18, v6  }
0xaa: {  	[tilespmem:$0x1FE70] =	vst v9;
	v29 =	vsel vm4, v18, v8;
	vm5 =	vgt.f32 v18, v7;
	v5 =	vsel vm2, v18, v5  }
0xab: {  	[tilespmem:$0x1FEF0] =	vst v13;
	v9 =	vsel vm15, $0xFFFFFFFF, v26;
	v28 =	vsel vm15, v18, v6;
	v6 =	vsel vm15, v6, v29  }
0xac: {  	v13 =	vsel vm5, $0xFFFFFFFF, v31;
	v5 =	vsel vm4, v8, v5;
	[tilespmem:$0x1FF30] =	vst v9;
	v9 =	vsel vm4, $0xFFFFFFFF, v27  }
0xad: {  	v30 =	vld [tilespmem:s11+$0x580];
	[tilespmem:$0x1FF20] =	vst v13;
	v13 =	vsel vm2, $0xFFFFFFFF, v32;
	vm7 =	vgt.f32 v24, v6;
	vm9 =	vgt.f32 v24, v5  }
0xae: {  	[tilespmem:$0x1FF40] =	vst v9;
	v9 =	vsel vm5, v7, v28;
	v7 =	vsel vm5, v18, v7;
	v35 =	vsel vm7, v24, v6  }
0xaf: {  	[tilespmem:$0x1FF10] =	vst v13;
	v13 =	vsel vm7, $0xFFFFFFFF, v36;
	v5 =	vsel vm9, v24, v5;
	vm6 =	vgt.f32 v24, v9  }
0xb0: {  	[tilespmem:$0x1FF60] =	vst v13;
	vm8 =	vgt.f32 v24, v7;
	v5 =	vsel vm7, v6, v5;
	v8 =	vsel vm6, $0xFFFFFFFF, v33  }
0xb1: {  	v34 =	vsel vm6, v24, v9;
	v13 =	vsel vm8, $0xFFFFFFFF, v37;
	v9 =	vsel vm6, v9, v35;
	[tilespmem:$0x1FF80] =	vst v8  }
0xb2: {  	v38 =	vld [tilespmem:s11+$0x600];
	vm4 =	vgt.f32 v30, v5;
	[tilespmem:$0x1FF70] =	vst v13;
	v8 =	vsel vm8, v7, v34;
	v13 =	vsel vm9, $0xFFFFFFFF, v39  }
0xb3: {  	v7 =	vsel vm8, v24, v7;
	vm11 =	vgt.f32 v30, v9;
	v5 =	vsel vm4, v30, v5  }
0xb4: {  	[tilespmem:$0x1FF50] =	vst v13;
	vm10 =	vgt.f32 v30, v8;
	vm15 =	vgt.f32 v30, v7;
	v13 =	vsel vm11, $0xFFFFFFFF, v42  }
0xb5: {  	v44 =	vsel vm11, v30, v9;
	v5 =	vsel vm11, v9, v5;
	v11 =	vsel vm10, $0xFFFFFFFF, v40  }
0xb6: {  	v45 =	vld [tilespmem:s11+$0x680];
	v41 =	vsel vm10, v30, v8;
	[tilespmem:$0x1FFB0] =	vst v13;
	v8 =	vsel vm10, v8, v44;
	v13 =	vsel vm4, $0xFFFFFFFF, v46  }
0xb7: {  	vm5 =	vgt.f32 v38, v5;
	v43 =	vsel vm15, v7, v41;
	v7 =	vsel vm15, v30, v7  }
0xb8: {  	[tilespmem:$0x1FF90] =	vst v13;
	vm13 =	vgt.f32 v38, v8;
	v13 =	vsel vm5, $0xFFFFFFFF, v50;
	v5 =	vsel vm5, v38, v5  }
0xb9: {  	vm12 =	vgt.f32 v38, v43;
	v48 =	vsel vm13, v38, v8;
	vm8 =	vgt.f32 v38, v7  }
0xba: {  	v49 =	vld [tilespmem:s11+$0x700];
	v5 =	vsel vm13, v8, v5;
	v47 =	vsel vm12, v38, v43;
	v6 =	vsel vm12, v43, v48  }
0xbb: {  	vm6 =	vgt.f32 v45, v5;
	v9 =	vsel vm8, v7, v47;
	v7 =	vsel vm8, v38, v7  }
0xbc: {  	[tilespmem:$0x1FFC0] =	vst v13;
	vm14 =	vgt.f32 v45, v6;
	v13 =	vsel vm6, $0xFFFFFFFF, v54;
	v5 =	vsel vm6, v45, v5  }
0xbd: {  	vm9 =	vgt.f32 v45, v9;
	v52 =	vsel vm14, v45, v6;
	vm5 =	vgt.f32 v45, v7  }
0xbe: {  	v53 =	vld [tilespmem:s11+$0x780];
	v5 =	vsel vm14, v6, v5;
	v51 =	vsel vm9, v45, v9;
	v9 =	vsel vm9, v9, v52  }
0xbf: {  	vm7 =	vgt.f32 v49, v5;
	v8 =	vsel vm5, v7, v51;
	v7 =	vsel vm5, v45, v7  }
0xc0: {  	v14 =	vld [tilespmem:$0x1FDE0];
	[tilespmem:$0x1FFA0] =	vst v11;
	vm11 =	vgt.f32 v49, v9;
	v11 =	vsel vm7, $0xFFFFFFFF, v58;
	v5 =	vsel vm7, v49, v5  }
0xc1: {  	vm10 =	vgt.f32 v49, v8;
	vm4 =	vgt.f32 v49, v7;
	v57 =	vsel vm11, v49, v9  }
0xc2: {  	v5 =	vsel vm11, v9, v5;
	v55 =	vsel vm10, v49, v8;
	v8 =	vsel vm10, v8, v57  }
0xc3: {  	vm0 =	vgt.f32 v53, v5;
	v56 =	vsel vm4, v7, v55;
	v7 =	vsel vm4, v49, v7  }
0xc4: {  	v17 =	vld [tilespmem:$0x1FDF0];
	[tilespmem:$0x1FFD0] =	vst v13;
	vm6 =	vgt.f32 v53, v8;
	v13 =	vsel vm0, $0xFFFFFFFF, v63;
	v5 =	vsel vm0, v53, v5  }
0xc5: {  	vm0 =	vnez.u8 v14;
	vm3 =	vgt.f32 v53, v7;
	vm7 =	vgt.f32 v53, v56  }
0xc6: {  	v18 =	vld [tilespmem:$0x1FE00];
	[tilespmem:$0x1FFE0] =	vst v11;
	v62 =	vsel vm6, v53, v8;
	v11 =	vsel vm0, $0x14, v3;
	v3 =	vsel vm0, v3, v4  }
0xc7: {  	v19 =	vld [tilespmem:$0x1FE10];
	v15 =	vsel vm6, v8, v5;
	v59 =	vsel vm3, v53, v7;
	v6 =	vsel vm7, v56, v62  }
0xc8: {  	v20 =	vld [tilespmem:$0x1FE20];
	v60 =	vsel vm7, v53, v56;
	v61 =	vsub.f32 v59, v59;
	v6 =	vsub.f32 v6, v59  }
0xc9: {  	vm0 =	vnez.u8 v17;
	v7 =	vsel vm3, v7, v60;
	v4 =	vsub.f32 v15, v59  }
0xca: {  	v21 =	vld [tilespmem:$0x1FE40];
	v7 =	vsub.f32 v7, v59;
	v10 =	vmul.f32 $1.442695020e+00, v61;
	v16 =	vmul.f32 $1.442695020e+00, v6  }
0xcb: {  	v23 =	vld [tilespmem:$0x1FE60];
	v6 =	vsel vm0, $0x14, v2;
	v2 =	vsel vm0, v2, v11;
	vm0 =	vnez.u8 v18  }
0xcc: {  	v22 =	vld [tilespmem:$0x1FE50];
	v7 =	vmul.f32 $1.442695020e+00, v7;
	v3 =	vsel vm0, $0x15, v3;
	vm0 =	vnez.u8 v19  }
0xcd: {  	v24 =	vld [tilespmem:$0x1FE70];
	v5 =	vsel vm0, $0x14, v1;
	v1 =	vsel vm0, v1, v6;
	vm0 =	vnez.u8 v20  }
0xce: {  	(erf) = vpow2.f32 v10;
	v6 =	vsel vm0, $0x15, v2;
	v2 =	vsel vm0, v2, v3;
	v3 =	vld [tilespmem:$0x1FE30]  }
0xcf: {  	v25 =	vld [tilespmem:$0x1FE80];
	v4 =	vmul.f32 $1.442695020e+00, v4;
	(erf) = vpow2.f32 v7  }
0xd0: {  	v26 =	vld [tilespmem:$0x1FE90];
	(erf) = vpow2.f32 v16  }
0xd1: {  	v27 =	vld [tilespmem:$0x1FEA0];
	vm2 =	vnez.u8 v23;
	vm0 =	vnez.u8 v21;
	(erf) = vpow2.f32 v4  }
0xd2: {  	v28 =	vld [tilespmem:$0x1FEB0];
	v4 =	vsel vm0, $0x15, v1;
	v1 =	vsel vm0, v1, v6;
	vm0 =	vnez.u8 v22  }
0xd3: {  	v2 =	vsel vm0, $0x16, v2;
	vm0 =	vnez.u8 v24;
	vm1 =	vnez.u8 v3  }
0xd4: {  	v29 =	vld [tilespmem:$0x1FEC0];
	v3 =	vsel vm1, $0x15, v5;
	v4 =	vsel vm1, v5, v4;
	vm1 =	vnez.u8 v25  }
0xd5: {  	v31 =	vld [tilespmem:$0x1FED0];
	v5 =	vsel vm2, $0x16, v3;
	v6 =	vsel vm0, $0x16, v4;
	v7 =	vsel vm1, $0x16, v1  }
0xd6: {  	v33 =	vld [tilespmem:$0x1FEE0];
	v1 =	vsel vm1, v1, v2;
	vm1 =	vnez.u8 v27;
	v3 =	vsel vm2, v3, v6  }
0xd7: {  	v34 =	vld [tilespmem:$0x1FEF0];
	v4 =	vsel vm0, v4, v7;
	vm2 =	vnez.u8 v26;
	vm0 =	vnez.u8 v28  }
0xd8: {  	v36 =	vld [tilespmem:$0x1FF00];
	v2 =	vpop (erf);
	v6 =	vsel vm2, $0x17, v5;
	v7 =	vsel vm1, $0x17, v3;
	v8 =	vsel vm0, $0x17, v4  }
0xd9: {  	v30 =	vpop (erf);
	v5 =	vsel vm2, v5, v7;
	v3 =	vsel vm1, v3, v8;
	vm1 =	vnez.u8 v29  }
0xda: {  	v32 =	vadd.f32 v30, v2;
	v1 =	vsel vm1, $0x17, v1;
	vm1 =	vnez.u8 v31  }
0xdb: {  	v1 =	vsel vm0, v4, v1;
	v4 =	vsel vm1, $0x18, v5;
	vm0 =	vnez.u8 v33  }
0xdc: {  	v37 =	vld [tilespmem:$0x1FF10];
	v9 =	vsel vm0, $0x18, v6;
	v4 =	vsel vm0, v6, v4;
	vm0 =	vnez.u8 v34  }
0xdd: {  	v38 =	vld [tilespmem:$0x1FF20];
	v35 =	vpop (erf);
	v1 =	vsel vm0, $0x18, v1;
	vm0 =	vnez.u8 v36  }
0xde: {  	v40 =	vld [tilespmem:$0x1FF30];
	v10 =	vsel vm0, $0x18, v3;
	v1 =	vsel vm0, v3, v1;
	v3 =	vadd.f32 v32, v35  }
0xdf: {  	v41 =	vld [tilespmem:$0x1FF40];
	v39 =	vpop (erf)  }
0xe0: {  	v42 =	vld [tilespmem:$0x1FF50];
	v3 =	vadd.f32 v3, v39  }
0xe1: {  	v43 =	vld [tilespmem:$0x1FF70]  }
0xe2: {  	vm2 =	vnez.u8 v38;
	(erf) = vrcp.f32 v3;
	v3 =	vld [tilespmem:$0x1FF60]  }
0xe3: {  	v44 =	vld [tilespmem:$0x1FF80];
	v8 =	vsel vm2, $0x19, v9;
	vm0 =	vnez.u8 v37;
	v5 =	vsel vm1, v5, v10  }
0xe4: {  	v48 =	vld [tilespmem:$0x1FFB0];
	v1 =	vsel vm0, $0x19, v1;
	vm0 =	vnez.u8 v40;
	vm1 =	vnez.u8 v41  }
0xe5: {  	v45 =	vld [tilespmem:$0x1FF90];
	v11 =	vsel vm0, $0x19, v4;
	v12 =	vsel vm1, $0x19, v5;
	v1 =	vsel vm1, v5, v1  }
0xe6: {  	v47 =	vld [tilespmem:$0x1FFA0];
	vm1 =	vnez.u8 v43;
	v4 =	vsel vm0, v4, v12;
	vm0 =	vnez.u8 v42  }
0xe7: {  	v9 =	vsel vm2, v9, v11;
	v1 =	vsel vm0, $0x1A, v1;
	vm0 =	vnez.u8 v3  }
0xe8: {  	v3 =	vsel vm0, $0x1A, v4;
	v1 =	vsel vm0, v4, v1;
	vm0 =	vnez.u8 v44  }
0xe9: {  	[tilespmem:$0x1FFF0] =	vst v13;
	v4 =	vsel vm1, $0x1A, v8;
	v5 =	vsel vm0, $0x1A, v9;
	v3 =	vsel vm0, v9, v3  }
0xea: {  	v63 =	vld [tilespmem:$0x1FFF0];
	vm0 =	vnez.u8 v45;
	v46 =	vsel vm15, $0x1B, v4;
	v5 =	vsel vm1, v8, v5  }
0xeb: {  	v1 =	vsel vm0, $0x1B, v1;
	vm0 =	vnez.u8 v47;
	vm1 =	vnez.u8 v48  }
0xec: {  	v49 =	vld [tilespmem:$0x1FFC0];
	v9 =	vsel vm0, $0x1B, v5;
	v11 =	vsel vm1, $0x1B, v3;
	v1 =	vsel vm1, v3, v1  }
0xed: {  	v3 =	vsel vm8, $0x1C, v46;
	v57 =	vpop (erf);
	v4 =	vsel vm15, v4, v9;
	v5 =	vsel vm0, v5, v11  }
0xee: {  	v52 =	vsel vm5, $0x1D, v3;
	v2 =	vmul.f32 v57, v2;
	v7 =	vmul.f32 v57, v30  }
0xef: {  	v54 =	vld [tilespmem:$0x1FFD0];
	v62 =	vmul.f32 v57, v35;
	vm15 =	vnez.u8 v63;
	v9 =	vsel vm12, $0x1C, v4  }
0xf0: {  	s13 =	sshra.s32 s12, $0x2;
	v11 =	vsel vm13, $0x1C, v5;
	v55 =	vsel vm4, $0x1E, v52;
	v8 =	vsel vm8, v46, v9  }
0xf1: {  	v4 =	vsel vm12, v4, v11;
	vm12 =	vnez.u8 v49;
	v58 =	vsel vm3, $0x1F, v55;
	[tilespmem:s13+$0x1200] =	vst v2;
	v2 =	vld [tilespmem:$0x1FFE0]  }
0xf2: {  	v1 =	vsel vm12, $0x1C, v1;
	v50 =	vsel vm9, $0x1D, v8;
	v51 =	vsel vm14, $0x1D, v4  }
0xf3: {  	v1 =	vsel vm13, v5, v1;
	v3 =	vsel vm5, v3, v50;
	v53 =	vsel vm9, v8, v51  }
0xf4: {  	vm13 =	vnez.u8 v54;
	v56 =	vsel vm10, $0x1E, v3;
	v59 =	vsel vm11, $0x1E, v53  }
0xf5: {  	[tilespmem:s13+$0x1210] =	vst v7;
	v1 =	vsel vm13, $0x1D, v1;
	v9 =	vsel vm4, v52, v56;
	v3 =	vsel vm10, v3, v59  }
0xf6: {  	p0 =	sne.s32 s12, $0x700;
	[tilespmem:s13+$0x1220] =	vst v62;
	v1 =	vsel vm14, v4, v1;
	vm14 =	vnez.u8 v2;
	v2 =	vsel vm6, $0x1F, v3  }
.Ltmp0:
0xf7: {  	[tilespmem:s13+$0x1000] =	vst v58;
	v60 =	vsel vm7, $0x1F, v9;
	v1 =	vsel vm14, $0x1E, v1;
	v2 =	vsel vm7, v9, v2;
	(pc) =	sbr.rel @p0 .LBB2_2-.Ltmp0, $4  }
0xf8: {  	v61 =	vsel vm3, v55, v60;
	v1 =	vsel vm11, v53, v1;
	[tilespmem:s13+$0x1020] =	vst v2;
	v2 =	vmul.f32 v57, v39  }
0xf9: {  	[tilespmem:s13+$0x1010] =	vst v61;
	v1 =	vsel vm15, $0x1F, v1  }
0xfa: {  	v1 =	vsel vm6, v3, v1;
	[tilespmem:s13+$0x1230] =	vst v2  }
0xfb: {  	s12 =	sadd.s32 $0x100, s12;
	s11 =	sadd.s32 $0x10, s11;
	[tilespmem:s13+$0x1030] =	vst v1  }
0xfc: {  	[hbm4b:s4+s2] =	stream.linear.scatter [tilespmem:s8], [sflag:$0x1], $0x200, $0x38;
	[tilespmem:$0x1400] =	vst v63  }
0xfd: {  	s10 =	sadd.s32 $0x1, s10;
	_ =	swait.ge [sflag:s7], $0x200  }
0xfe: {  	p0 =	sne.s32 s10, s6;
	[sflag:s7] =	ssyncset.done $0x0  }
.Ltmp1:
0xff: {  	[sflag:s7] =	ssyncadd.s32 $0xFFFFFE00;
	(pc) =	sbr.rel @p0 .LBB2_1-.Ltmp1, $4  }
0x100: {  	[hbm4b:s5+s2] =	stream.linear.scatter [tilespmem:s9], [sflag:$0x1], $0x200, $0x38;
	[tilespmem:$0x1400] =	vst v63  }
0x101: {  	_ =	swait.ge [sflag:s7], $0x200  }
0x102: {  	[sflag:s7] =	ssyncset.done $0x0  }
0x103: {  	[sflag:s7] =	ssyncadd.s32 $0xFFFFFE00  }
0x104: {  	_ =	sfence.sel $0x180000  }
0x105: {  	[bflag:$0x0] =	sbarrier.arrive $0xFFFF  }
0x106: {  	p0 =	sne.s32 s1, $0x0;
	_ =	strace $0x90000047  }
0x107: {  	s0 =	sadd.s32 @!p0 $0x100000, s0;
	[bflag:$0x2] =	sbarrier.arrive $0xFFFF  }
0x108: {  	[sflag:s0] =	ssyncadd.tile.s32 @!p0 $0x1;
	_ =	shalt  }
.Lfunc_end2:
_tile_overlayer_lowered:
.L_overlay_start_2:
0x109: {  	(tag) =	ssettag $0x2  }
0x10a: {  	s0 =	rddreg [dreg:$0x0];
	s2 =	stileid.u32  }
0x10b: {  	s1 =	rddreg [dreg:$0x1];
	p0 =	sne.s32 s2, $0x0  }
0x10c: {  	s3 =	rddreg [dreg:$0x2];
	[bflag:$0x3] =	sbarrier.arrive $0xFFFF;
	s2 =	simm.s32 @!p0 $0x1C01  }
0x10d: {  	[timem:s3], [sflag:s2] =	dma.local @!p0 [hbm:s0], s1  }
0x10e: {  	s0 =	simm.s32 @!p0 $0x1  }
0x10f: {  	_ =	swait.ge @!p0 [sflag:s0], s1  }
0x110: {  	s1 =	ssub.s32 @!p0 $0x0, s1;
	[sflag:s0] =	ssyncset.done @!p0 $0x0  }
0x111: {  	[sflag:s0] =	ssyncadd.s32 @!p0 s1  }
0x112: {  	[bflag:$0x3] =	sbarrier.arrive $0xFFFF  }
0x113: {  	_ =	shalt  }

</sc_bundles>
